<compile_context>
chip_gen: v7x
topology: tpu7x:2x2x1
jax: 0.10.2.dev20260603
libtpu: 0.0.44.dev20260713+nightly
codegen_flags: <defaults>
</compile_context>

<pallas_src>
import jax
import jax.numpy as jnp
from jax import lax
from jax.experimental import pallas as pl
from jax.experimental.pallas import tpu as pltpu
from jax.experimental.pallas import tpu_sc as plsc

NUM_FIELDS = 26
VOCAB = 100000
DIM = 32
BATCH = 16384

NC = 2
NS = 16
NW = NC * NS

SPLIT = 42368
BLEN = VOCAB - SPLIT
QROWS = BATCH // 4


def _sc_body(tbl_hbm, idx_hbm, out_hbm, vec_a, vec_b, ib0, ib1, ib2, out_v,
             ish, asem, bsem, ssem, is0, is1, is2, os0, os1, os2, os3):
    sid = lax.axis_index("s")
    d = sid * NC + lax.axis_index("c")
    ibufs, isems = (ib0, ib1, ib2), (is0, is1, is2)
    osems = (os0, os1, os2, os3)
    lanes = lax.iota(jnp.int32, 16)

    def _fire_idx(f, q_static, b):
        pltpu.async_copy(
            ish.at[lax.rem(f, 2), pl.ds(q_static * QROWS, QROWS)],
            ibufs[b], isems[b],
        )

    def _wait_idx(b):
        pltpu.make_async_copy(
            ibufs[b], out_hbm.at[0, d, pl.ds(0, QROWS)], isems[b]
        ).wait()

    def _drain_out(q):
        pltpu.make_async_copy(
            out_v.at[pl.ds(0, QROWS)], out_hbm.at[0, d, pl.ds(0, QROWS)],
            osems[q],
        ).wait()

    def _pass1(cq, ib):
        @plsc.parallel_loop(0, QROWS, step=16, unroll=8)
        def _p(o):
            iv = ib[pl.ds(o, 16)]
            out_v[pl.ds(cq * QROWS + o, 16)] = plsc.load_gather(vec_a, [iv])

    def _pass2(cq, ib):
        @plsc.parallel_loop(0, QROWS, step=16, unroll=8)
        def _p(o):
            iv = ib[pl.ds(o, 16)]
            m = iv >= SPLIT
            g = plsc.load_gather(vec_b, [iv - SPLIT], mask=m)
            plsc.store_scatter(out_v, [lanes + (cq * QROWS + o)], g, mask=m)

    def _wb(f, q):
        pltpu.async_copy(
            out_v.at[pl.ds(q * QROWS, QROWS)],
            out_hbm.at[f, d, pl.ds(q * QROWS, QROWS)],
            osems[q],
        )

    @pl.when(sid == 0)
    def _():
        pltpu.async_copy(idx_hbm.at[0], ish.at[0], ssem)

    pltpu.async_copy(tbl_hbm.at[0, d, pl.ds(0, SPLIT)], vec_a, asem)

    def _task(f, carry):
        @pl.when(sid == 0)
        def _():
            pltpu.make_async_copy(idx_hbm.at[0], ish.at[0], ssem).wait()

        plsc.subcore_barrier()

        @pl.when((sid == 0) & (f + 1 < NUM_FIELDS))
        def _():
            pltpu.async_copy(idx_hbm.at[f + 1], ish.at[lax.rem(f + 1, 2)], ssem)

        pltpu.make_async_copy(
            vec_a, tbl_hbm.at[0, d, pl.ds(0, SPLIT)], asem
        ).wait()
        pltpu.async_copy(tbl_hbm.at[f, d, pl.ds(SPLIT, BLEN)], vec_b, bsem)
        _fire_idx(f, 0, 0)
        _fire_idx(f, 1, 1)
        _fire_idx(f, 2, 2)

        for cq, b in ((0, 0), (1, 1), (2, 2), (3, 0)):
            _wait_idx(b)

            @pl.when(f > 0)
            def _():
                _drain_out(cq)

            _pass1(cq, ibufs[b])
            if cq == 0:
                _fire_idx(f, 3, 0)

        pltpu.make_async_copy(
            vec_b, tbl_hbm.at[0, d, pl.ds(SPLIT, BLEN)], bsem
        ).wait()

        @pl.when(f + 1 < NUM_FIELDS)
        def _():
            pltpu.async_copy(
                tbl_hbm.at[f + 1, d, pl.ds(0, SPLIT)], vec_a, asem
            )

        _pass2(3, ib0)
        _wb(f, 3)
        _pass2(1, ib1)
        _wb(f, 1)
        _fire_idx(f, 0, 1)
        _pass2(2, ib2)
        _wb(f, 2)
        _wait_idx(1)
        _pass2(0, ib1)
        _wb(f, 0)
        return carry

    lax.fori_loop(0, NUM_FIELDS, _task, 0)
    for q in range(4):
        _drain_out(q)


@jax.jit
def _sc_embed(tbl_t, idx_t):
    mesh = plsc.VectorSubcoreMesh(
        core_axis_name="c", subcore_axis_name="s", num_cores=NC, num_subcores=NS
    )
    return pl.kernel(
        _sc_body,
        out_type=jax.ShapeDtypeStruct((NUM_FIELDS, DIM, BATCH), jnp.float32),
        mesh=mesh,
        scratch_types=[
            pltpu.VMEM((SPLIT,), jnp.float32),
            pltpu.VMEM((BLEN,), jnp.float32),
            pltpu.VMEM((QROWS,), jnp.int32),
            pltpu.VMEM((QROWS,), jnp.int32),
            pltpu.VMEM((QROWS,), jnp.int32),
            pltpu.VMEM((BATCH,), jnp.float32),
            pltpu.VMEM_SHARED((2, BATCH), jnp.int32),
            pltpu.SemaphoreType.DMA,
            pltpu.SemaphoreType.DMA,
            pltpu.SemaphoreType.DMA,
            pltpu.SemaphoreType.DMA,
            pltpu.SemaphoreType.DMA,
            pltpu.SemaphoreType.DMA,
            pltpu.SemaphoreType.DMA,
            pltpu.SemaphoreType.DMA,
            pltpu.SemaphoreType.DMA,
            pltpu.SemaphoreType.DMA,
        ],
        compiler_params=pltpu.CompilerParams(
            use_tc_tiling_on_sc=True, needs_layout_passes=False
        ),
    )(tbl_t, idx_t)


def kernel(sparse_inputs, tables):
    idx_t = jnp.transpose(sparse_inputs.astype(jnp.int32))
    tbl_t = jnp.transpose(tables, (0, 2, 1))
    out_t = _sc_embed(tbl_t, idx_t)
    return jnp.transpose(out_t, (2, 0, 1))

# --- scband reference (transcript-rebuilt; emitter-appended) ---
"""Pipeline reference for scband-sparse-embedding-with-l2-73160472920723 (READ-ONLY COPY).

The authoritative reference and input builder live on the scoring server;
editing this copy changes nothing except your own understanding.
"""

import jax, jax.numpy as jnp
import numpy as np

NUM_FIELDS = 26
VOCAB = 100000
DIM = 32
BATCH = 16384


def setup_inputs(seed: int = 0) -> dict:
    key = jax.random.key(seed)
    k1, k2 = jax.random.split(key)
    sparse_inputs = jax.random.randint(k1, (BATCH, NUM_FIELDS), 0, VOCAB)
    # One embedding table per sparse field; all fields share the same vocab size
    # here, so we materialize them as a single stacked tensor [F, V, D].
    tables = jax.random.normal(k2, (NUM_FIELDS, VOCAB, DIM), dtype=jnp.float32) * 0.05
    return {"sparse_inputs": sparse_inputs, "tables": tables}


def reference(sparse_inputs, tables):
    # For each field i: look up tables[i] with sparse_inputs[:, i], then stack
    # along axis=1 -> [B, F, D], matching tf.stack(sparse_outputs, axis=1).
    out = jax.vmap(
        lambda table, idx: jnp.take(table, idx, axis=0),
        in_axes=(0, 1),
        out_axes=1,
    )(tables, sparse_inputs)
    return out

if __name__ == "__main__":
    import jax
    _d = setup_inputs()
    print(jax.jit(kernel)(*tuple(_d.values())))

</pallas_src>

<mosaic_0001>
#map = affine_map<(d0, d1) -> (0, 0, 0)>
#map1 = affine_map<(d0, d1) -> (0, 0)>
module attributes {stable_mosaic.version = 14 : i64} {
  func.func @_sc_body(%arg0: i32, %arg1: i32, %arg2: memref<26x32x100000xf32, #tpu.memory_space<hbm>>, %arg3: memref<26x16384xi32, #tpu.memory_space<hbm>>, %arg4: memref<26x32x16384xf32, #tpu.memory_space<hbm>>, %arg5: memref<42368xf32, #tpu.memory_space<vmem>>, %arg6: memref<57632xf32, #tpu.memory_space<vmem>>, %arg7: memref<4096xi32, #tpu.memory_space<vmem>>, %arg8: memref<4096xi32, #tpu.memory_space<vmem>>, %arg9: memref<4096xi32, #tpu.memory_space<vmem>>, %arg10: memref<16384xf32, #tpu.memory_space<vmem>>, %arg11: memref<2x16384xi32, #tpu.memory_space<vmem_shared>>, %arg12: memref<!tpu.dma_semaphore, #tpu.memory_space<semaphore_mem>>, %arg13: memref<!tpu.dma_semaphore, #tpu.memory_space<semaphore_mem>>, %arg14: memref<!tpu.dma_semaphore, #tpu.memory_space<semaphore_mem>>, %arg15: memref<!tpu.dma_semaphore, #tpu.memory_space<semaphore_mem>>, %arg16: memref<!tpu.dma_semaphore, #tpu.memory_space<semaphore_mem>>, %arg17: memref<!tpu.dma_semaphore, #tpu.memory_space<semaphore_mem>>, %arg18: memref<!tpu.dma_semaphore, #tpu.memory_space<semaphore_mem>>, %arg19: memref<!tpu.dma_semaphore, #tpu.memory_space<semaphore_mem>>, %arg20: memref<!tpu.dma_semaphore, #tpu.memory_space<semaphore_mem>>, %arg21: memref<!tpu.dma_semaphore, #tpu.memory_space<semaphore_mem>>) attributes {dimension_semantics = [#tpu.dimension_semantics<core_parallel>, #tpu.dimension_semantics<subcore_parallel>], iteration_bounds = array<i64: 2, 16>, scalar_prefetch = 0 : i64, scratch_operands = 17 : i64, tpu.core_type = #tpu.core_type<sc_vector_subcore>, window_params = [{transform_indices = #map}, {transform_indices = #map1}, {transform_indices = #map}]} {
    %mul3A = arith.constant 2 : i32
    %mul3A_0 = arith.muli %arg1, %mul3A : i32
    %add3A = arith.addi %mul3A_0, %arg0 : i32
    %iota3A = tpu.iota {dimensions = array<i32: 0>} : vector<16xi32>
    %eq3A = arith.constant 0 : i32
    %eq3A_1 = arith.cmpi eq, %arg1, %eq3A : i32
    %convert_element_type3A = arith.extui %eq3A_1 : i1 to i32
    %cond3A = arith.constant 0 : i32
    %cond3A_2 = arith.cmpi ne, %convert_element_type3A, %cond3A : i32
    scf.if %cond3A_2 {
      %dma_start3A_57 = arith.constant 0 : i32
      %dma_start3A_58 = arith.constant 0 : i32
      %dma_start3A_59 = arith.constant 0 : i32
      %dma_start3A_60 = tpu.memref_slice %arg11[%dma_start3A_58, %dma_start3A_59] : memref<2x16384xi32, #tpu.memory_space<vmem_shared>> -> memref<1x16384xi32, #tpu.memory_space<vmem_shared>>
      %dma_start3A_61 = tpu.memref_squeeze %dma_start3A_60 : memref<1x16384xi32, #tpu.memory_space<vmem_shared>> -> memref<16384xi32, #tpu.memory_space<vmem_shared>>
      %dma_start3A_62 = arith.constant 0 : i32
      %dma_start3A_63 = tpu.memref_slice %arg3[%dma_start3A_57, %dma_start3A_62] : memref<26x16384xi32, #tpu.memory_space<hbm>> -> memref<1x16384xi32, #tpu.memory_space<hbm>>
      %dma_start3A_64 = tpu.memref_squeeze %dma_start3A_63 : memref<1x16384xi32, #tpu.memory_space<hbm>> -> memref<16384xi32, #tpu.memory_space<hbm>>
      tpu.enqueue_dma source(%dma_start3A_64 : memref<16384xi32, #tpu.memory_space<hbm>>) target(%dma_start3A_61 : memref<16384xi32, #tpu.memory_space<vmem_shared>>) target_semaphore(%arg14 : memref<!tpu.dma_semaphore, #tpu.memory_space<semaphore_mem>>)
    } else {
    }
    %dma_start3A = arith.constant 0 : i32
    %dma_start3A_3 = arith.constant 0 : i32
    %dma_start3A_4 = tpu.memref_slice %arg2[%dma_start3A, %add3A, %dma_start3A_3] : memref<26x32x100000xf32, #tpu.memory_space<hbm>> -> memref<1x1x42368xf32, #tpu.memory_space<hbm>>
    %dma_start3A_5 = tpu.memref_squeeze %dma_start3A_4 : memref<1x1x42368xf32, #tpu.memory_space<hbm>> -> memref<42368xf32, #tpu.memory_space<hbm>>
    %dma_start3A_6 = arith.constant 0 : i32
    %dma_start3A_7 = tpu.memref_slice %arg2[%dma_start3A, %add3A, %dma_start3A_6] : memref<26x32x100000xf32, #tpu.memory_space<hbm>> -> memref<1x1x42368xf32, #tpu.memory_space<hbm>>
    %dma_start3A_8 = tpu.memref_squeeze %dma_start3A_7 : memref<1x1x42368xf32, #tpu.memory_space<hbm>> -> memref<42368xf32, #tpu.memory_space<hbm>>
    tpu.enqueue_dma source(%dma_start3A_8 : memref<42368xf32, #tpu.memory_space<hbm>>) target(%arg5 : memref<42368xf32, #tpu.memory_space<vmem>>) target_semaphore(%arg12 : memref<!tpu.dma_semaphore, #tpu.memory_space<semaphore_mem>>)
    %scan3A = arith.constant 0 : i32
    %scan3A_9 = arith.constant 0 : i32
    %scan3A_10 = arith.constant 26 : i32
    %scan3A_11 = arith.addi %scan3A_9, %scan3A_10 : i32
    %scan3A_12 = arith.constant 1 : i32
    scf.for %scan3A_57 = %scan3A_9 to %scan3A_11 step %scan3A_12  : i32 {
      %eq3A_58 = arith.constant 0 : i32
      %eq3A_59 = arith.cmpi eq, %arg1, %eq3A_58 : i32
      %convert_element_type3A_60 = arith.extui %eq3A_59 : i1 to i32
      %cond3A_61 = arith.constant 0 : i32
      %cond3A_62 = arith.cmpi ne, %convert_element_type3A_60, %cond3A_61 : i32
      scf.if %cond3A_62 {
        %dma_wait3A_254 = arith.constant 0 : i32
        %dma_wait3A_255 = arith.constant 0 : i32
        %dma_wait3A_256 = arith.constant 0 : i32
        %dma_wait3A_257 = tpu.memref_slice %arg11[%dma_wait3A_255, %dma_wait3A_256] : memref<2x16384xi32, #tpu.memory_space<vmem_shared>> -> memref<1x16384xi32, #tpu.memory_space<vmem_shared>>
        %dma_wait3A_258 = tpu.memref_squeeze %dma_wait3A_257 : memref<1x16384xi32, #tpu.memory_space<vmem_shared>> -> memref<16384xi32, #tpu.memory_space<vmem_shared>>
        %dma_wait3A_259 = arith.constant 0 : i32
        %dma_wait3A_260 = tpu.memref_slice %arg3[%dma_wait3A_254, %dma_wait3A_259] : memref<26x16384xi32, #tpu.memory_space<hbm>> -> memref<1x16384xi32, #tpu.memory_space<hbm>>
        %dma_wait3A_261 = tpu.memref_squeeze %dma_wait3A_260 : memref<1x16384xi32, #tpu.memory_space<hbm>> -> memref<16384xi32, #tpu.memory_space<hbm>>
        tpu.wait_dma2 semaphore(%arg14 : memref<!tpu.dma_semaphore, #tpu.memory_space<semaphore_mem>>) src(%dma_wait3A_261 : memref<16384xi32, #tpu.memory_space<hbm>>) dst(%dma_wait3A_258 : memref<16384xi32, #tpu.memory_space<vmem_shared>>)
      } else {
      }
      %barrier3A = arith.constant 0 : index
      tpu.barrier barrier_id(%barrier3A)
      %eq3A_63 = arith.constant 0 : i32
      %eq3A_64 = arith.cmpi eq, %arg1, %eq3A_63 : i32
      %add3A_65 = arith.constant 1 : i32
      %add3A_66 = arith.addi %scan3A_57, %add3A_65 : i32
      %lt3A = arith.constant 26 : i32
      %lt3A_67 = arith.cmpi slt, %add3A_66, %lt3A : i32
      %and3A = arith.andi %eq3A_64, %lt3A_67 : i1
      %convert_element_type3A_68 = arith.extui %and3A : i1 to i32
      %cond3A_69 = arith.constant 0 : i32
      %cond3A_70 = arith.cmpi ne, %convert_element_type3A_68, %cond3A_69 : i32
      scf.if %cond3A_70 {
        %add3A_254 = arith.constant 1 : i32
        %add3A_255 = arith.addi %scan3A_57, %add3A_254 : i32
        %add3A_256 = arith.constant 1 : i32
        %add3A_257 = arith.addi %scan3A_57, %add3A_256 : i32
        %rem3A_258 = arith.constant 2 : i32
        %rem3A_259 = arith.remsi %add3A_257, %rem3A_258 : i32
        %dma_start3A_260 = arith.constant 0 : i32
        %dma_start3A_261 = tpu.memref_slice %arg11[%rem3A_259, %dma_start3A_260] : memref<2x16384xi32, #tpu.memory_space<vmem_shared>> -> memref<1x16384xi32, #tpu.memory_space<vmem_shared>>
        %dma_start3A_262 = tpu.memref_squeeze %dma_start3A_261 : memref<1x16384xi32, #tpu.memory_space<vmem_shared>> -> memref<16384xi32, #tpu.memory_space<vmem_shared>>
        %dma_start3A_263 = arith.constant 0 : i32
        %dma_start3A_264 = tpu.memref_slice %arg3[%add3A_255, %dma_start3A_263] : memref<26x16384xi32, #tpu.memory_space<hbm>> -> memref<1x16384xi32, #tpu.memory_space<hbm>>
        %dma_start3A_265 = tpu.memref_squeeze %dma_start3A_264 : memref<1x16384xi32, #tpu.memory_space<hbm>> -> memref<16384xi32, #tpu.memory_space<hbm>>
        tpu.enqueue_dma source(%dma_start3A_265 : memref<16384xi32, #tpu.memory_space<hbm>>) target(%dma_start3A_262 : memref<16384xi32, #tpu.memory_space<vmem_shared>>) target_semaphore(%arg14 : memref<!tpu.dma_semaphore, #tpu.memory_space<semaphore_mem>>)
      } else {
      }
      %dma_wait3A_71 = arith.constant 0 : i32
      %dma_wait3A_72 = arith.constant 0 : i32
      %dma_wait3A_73 = tpu.memref_slice %arg2[%dma_wait3A_71, %add3A, %dma_wait3A_72] : memref<26x32x100000xf32, #tpu.memory_space<hbm>> -> memref<1x1x42368xf32, #tpu.memory_space<hbm>>
      %dma_wait3A_74 = tpu.memref_squeeze %dma_wait3A_73 : memref<1x1x42368xf32, #tpu.memory_space<hbm>> -> memref<42368xf32, #tpu.memory_space<hbm>>
      %dma_wait3A_75 = arith.constant 0 : i32
      %dma_wait3A_76 = tpu.memref_slice %arg2[%dma_wait3A_71, %add3A, %dma_wait3A_75] : memref<26x32x100000xf32, #tpu.memory_space<hbm>> -> memref<1x1x42368xf32, #tpu.memory_space<hbm>>
      %dma_wait3A_77 = tpu.memref_squeeze %dma_wait3A_76 : memref<1x1x42368xf32, #tpu.memory_space<hbm>> -> memref<42368xf32, #tpu.memory_space<hbm>>
      tpu.wait_dma2 semaphore(%arg12 : memref<!tpu.dma_semaphore, #tpu.memory_space<semaphore_mem>>) src(%arg5 : memref<42368xf32, #tpu.memory_space<vmem>>) dst(%dma_wait3A_77 : memref<42368xf32, #tpu.memory_space<hbm>>)
      %dma_start3A_78 = arith.constant 42368 : i32
      %dma_start3A_79 = tpu.memref_slice %arg2[%scan3A_57, %add3A, %dma_start3A_78] : memref<26x32x100000xf32, #tpu.memory_space<hbm>> -> memref<1x1x57632xf32, #tpu.memory_space<hbm>>
      %dma_start3A_80 = tpu.memref_squeeze %dma_start3A_79 : memref<1x1x57632xf32, #tpu.memory_space<hbm>> -> memref<57632xf32, #tpu.memory_space<hbm>>
      %dma_start3A_81 = arith.constant 42368 : i32
      %dma_start3A_82 = tpu.memref_slice %arg2[%scan3A_57, %add3A, %dma_start3A_81] : memref<26x32x100000xf32, #tpu.memory_space<hbm>> -> memref<1x1x57632xf32, #tpu.memory_space<hbm>>
      %dma_start3A_83 = tpu.memref_squeeze %dma_start3A_82 : memref<1x1x57632xf32, #tpu.memory_space<hbm>> -> memref<57632xf32, #tpu.memory_space<hbm>>
      tpu.enqueue_dma source(%dma_start3A_83 : memref<57632xf32, #tpu.memory_space<hbm>>) target(%arg6 : memref<57632xf32, #tpu.memory_space<vmem>>) target_semaphore(%arg13 : memref<!tpu.dma_semaphore, #tpu.memory_space<semaphore_mem>>)
      %rem3A = arith.constant 2 : i32
      %rem3A_84 = arith.remsi %scan3A_57, %rem3A : i32
      %dma_start3A_85 = arith.constant 0 : i32
      %dma_start3A_86 = tpu.memref_slice %arg11[%rem3A_84, %dma_start3A_85] : memref<2x16384xi32, #tpu.memory_space<vmem_shared>> -> memref<1x4096xi32, #tpu.memory_space<vmem_shared>>
      %dma_start3A_87 = tpu.memref_squeeze %dma_start3A_86 : memref<1x4096xi32, #tpu.memory_space<vmem_shared>> -> memref<4096xi32, #tpu.memory_space<vmem_shared>>
      %dma_start3A_88 = arith.constant 0 : i32
      %dma_start3A_89 = tpu.memref_slice %arg11[%rem3A_84, %dma_start3A_88] : memref<2x16384xi32, #tpu.memory_space<vmem_shared>> -> memref<1x4096xi32, #tpu.memory_space<vmem_shared>>
      %dma_start3A_90 = tpu.memref_squeeze %dma_start3A_89 : memref<1x4096xi32, #tpu.memory_space<vmem_shared>> -> memref<4096xi32, #tpu.memory_space<vmem_shared>>
      tpu.enqueue_dma source(%dma_start3A_90 : memref<4096xi32, #tpu.memory_space<vmem_shared>>) target(%arg7 : memref<4096xi32, #tpu.memory_space<vmem>>) target_semaphore(%arg15 : memref<!tpu.dma_semaphore, #tpu.memory_space<semaphore_mem>>)
      %rem3A_91 = arith.constant 2 : i32
      %rem3A_92 = arith.remsi %scan3A_57, %rem3A_91 : i32
      %dma_start3A_93 = arith.constant 4096 : i32
      %dma_start3A_94 = tpu.memref_slice %arg11[%rem3A_92, %dma_start3A_93] : memref<2x16384xi32, #tpu.memory_space<vmem_shared>> -> memref<1x4096xi32, #tpu.memory_space<vmem_shared>>
      %dma_start3A_95 = tpu.memref_squeeze %dma_start3A_94 : memref<1x4096xi32, #tpu.memory_space<vmem_shared>> -> memref<4096xi32, #tpu.memory_space<vmem_shared>>
      %dma_start3A_96 = arith.constant 4096 : i32
      %dma_start3A_97 = tpu.memref_slice %arg11[%rem3A_92, %dma_start3A_96] : memref<2x16384xi32, #tpu.memory_space<vmem_shared>> -> memref<1x4096xi32, #tpu.memory_space<vmem_shared>>
      %dma_start3A_98 = tpu.memref_squeeze %dma_start3A_97 : memref<1x4096xi32, #tpu.memory_space<vmem_shared>> -> memref<4096xi32, #tpu.memory_space<vmem_shared>>
      tpu.enqueue_dma source(%dma_start3A_98 : memref<4096xi32, #tpu.memory_space<vmem_shared>>) target(%arg8 : memref<4096xi32, #tpu.memory_space<vmem>>) target_semaphore(%arg16 : memref<!tpu.dma_semaphore, #tpu.memory_space<semaphore_mem>>)
      %rem3A_99 = arith.constant 2 : i32
      %rem3A_100 = arith.remsi %scan3A_57, %rem3A_99 : i32
      %dma_start3A_101 = arith.constant 8192 : i32
      %dma_start3A_102 = tpu.memref_slice %arg11[%rem3A_100, %dma_start3A_101] : memref<2x16384xi32, #tpu.memory_space<vmem_shared>> -> memref<1x4096xi32, #tpu.memory_space<vmem_shared>>
      %dma_start3A_103 = tpu.memref_squeeze %dma_start3A_102 : memref<1x4096xi32, #tpu.memory_space<vmem_shared>> -> memref<4096xi32, #tpu.memory_space<vmem_shared>>
      %dma_start3A_104 = arith.constant 8192 : i32
      %dma_start3A_105 = tpu.memref_slice %arg11[%rem3A_100, %dma_start3A_104] : memref<2x16384xi32, #tpu.memory_space<vmem_shared>> -> memref<1x4096xi32, #tpu.memory_space<vmem_shared>>
      %dma_start3A_106 = tpu.memref_squeeze %dma_start3A_105 : memref<1x4096xi32, #tpu.memory_space<vmem_shared>> -> memref<4096xi32, #tpu.memory_space<vmem_shared>>
      tpu.enqueue_dma source(%dma_start3A_106 : memref<4096xi32, #tpu.memory_space<vmem_shared>>) target(%arg9 : memref<4096xi32, #tpu.memory_space<vmem>>) target_semaphore(%arg17 : memref<!tpu.dma_semaphore, #tpu.memory_space<semaphore_mem>>)
      %dma_wait3A_107 = arith.constant 0 : i32
      %dma_wait3A_108 = arith.constant 0 : i32
      %dma_wait3A_109 = tpu.memref_slice %arg4[%dma_wait3A_107, %add3A, %dma_wait3A_108] : memref<26x32x16384xf32, #tpu.memory_space<hbm>> -> memref<1x1x4096xf32, #tpu.memory_space<hbm>>
      %dma_wait3A_110 = tpu.memref_squeeze %dma_wait3A_109 : memref<1x1x4096xf32, #tpu.memory_space<hbm>> -> memref<4096xf32, #tpu.memory_space<hbm>>
      %dma_wait3A_111 = arith.constant 0 : i32
      %dma_wait3A_112 = tpu.memref_slice %arg4[%dma_wait3A_107, %add3A, %dma_wait3A_111] : memref<26x32x16384xf32, #tpu.memory_space<hbm>> -> memref<1x1x4096xf32, #tpu.memory_space<hbm>>
      %dma_wait3A_113 = tpu.memref_squeeze %dma_wait3A_112 : memref<1x1x4096xf32, #tpu.memory_space<hbm>> -> memref<4096xf32, #tpu.memory_space<hbm>>
      tpu.wait_dma2 semaphore(%arg15 : memref<!tpu.dma_semaphore, #tpu.memory_space<semaphore_mem>>) src(%arg7 : memref<4096xi32, #tpu.memory_space<vmem>>) dst(%dma_wait3A_113 : memref<4096xf32, #tpu.memory_space<hbm>>)
      %gt3A = arith.constant 0 : i32
      %gt3A_114 = arith.cmpi sgt, %scan3A_57, %gt3A : i32
      %convert_element_type3A_115 = arith.extui %gt3A_114 : i1 to i32
      %cond3A_116 = arith.constant 0 : i32
      %cond3A_117 = arith.cmpi ne, %convert_element_type3A_115, %cond3A_116 : i32
      scf.if %cond3A_117 {
        %dma_wait3A_254 = arith.constant 0 : i32
        %dma_wait3A_255 = arith.constant 0 : i32
        %dma_wait3A_256 = tpu.memref_slice %arg10[%dma_wait3A_255] : memref<16384xf32, #tpu.memory_space<vmem>> -> memref<4096xf32, #tpu.memory_space<vmem>>
        %dma_wait3A_257 = arith.constant 0 : i32
        %dma_wait3A_258 = tpu.memref_slice %arg4[%dma_wait3A_254, %add3A, %dma_wait3A_257] : memref<26x32x16384xf32, #tpu.memory_space<hbm>> -> memref<1x1x4096xf32, #tpu.memory_space<hbm>>
        %dma_wait3A_259 = tpu.memref_squeeze %dma_wait3A_258 : memref<1x1x4096xf32, #tpu.memory_space<hbm>> -> memref<4096xf32, #tpu.memory_space<hbm>>
        %dma_wait3A_260 = arith.constant 0 : i32
        %dma_wait3A_261 = tpu.memref_slice %arg4[%dma_wait3A_254, %add3A, %dma_wait3A_260] : memref<26x32x16384xf32, #tpu.memory_space<hbm>> -> memref<1x1x4096xf32, #tpu.memory_space<hbm>>
        %dma_wait3A_262 = tpu.memref_squeeze %dma_wait3A_261 : memref<1x1x4096xf32, #tpu.memory_space<hbm>> -> memref<4096xf32, #tpu.memory_space<hbm>>
        %dma_wait3A_263 = arith.constant 0 : i32
        %dma_wait3A_264 = tpu.memref_slice %arg10[%dma_wait3A_263] : memref<16384xf32, #tpu.memory_space<vmem>> -> memref<4096xf32, #tpu.memory_space<vmem>>
        tpu.wait_dma2 semaphore(%arg18 : memref<!tpu.dma_semaphore, #tpu.memory_space<semaphore_mem>>) src(%dma_wait3A_264 : memref<4096xf32, #tpu.memory_space<vmem>>) dst(%dma_wait3A_262 : memref<4096xf32, #tpu.memory_space<hbm>>)
      } else {
      }
      %parallel_loop3A = arith.constant 0 : i32
      %parallel_loop3A_118 = arith.constant 4096 : i32
      %parallel_loop3A_119 = arith.constant 16 : i32
      scf.for %parallel_loop3A_254 = %parallel_loop3A to %parallel_loop3A_118 step %parallel_loop3A_119  : i32 {
        %parallel_loop3A_255 = arith.index_cast %parallel_loop3A_254 : i32 to index
        %parallel_loop3A_256 = tpu.vector_load %arg7[%parallel_loop3A_255] {strides = array<i32>} : memref<4096xi32, #tpu.memory_space<vmem>>, vector<16xi32>,
        %parallel_loop3A_257 = tpu.vector_load_idx %arg5[%parallel_loop3A_256] : memref<42368xf32, #tpu.memory_space<vmem>>[vector<16xi32>], vector<16xf32>,
        %parallel_loop3A_258 = arith.constant 0 : i32
        %parallel_loop3A_259 = arith.addi %parallel_loop3A_258, %parallel_loop3A_254 : i32
        %parallel_loop3A_260 = arith.index_cast %parallel_loop3A_259 : i32 to index
        %parallel_loop3A_261 = tpu.vector_load %arg10[%parallel_loop3A_260] {strides = array<i32>} : memref<16384xf32, #tpu.memory_space<vmem>>, vector<16xf32>,
        tpu.vector_store %arg10[%parallel_loop3A_260], %parallel_loop3A_257 {strides = array<i32>} : memref<16384xf32, #tpu.memory_space<vmem>>, vector<16xf32>,
      } {sc.loop_unroll_factor = 8 : i64, sc.parallel_access}
      %rem3A_120 = arith.constant 2 : i32
      %rem3A_121 = arith.remsi %scan3A_57, %rem3A_120 : i32
      %dma_start3A_122 = arith.constant 12288 : i32
      %dma_start3A_123 = tpu.memref_slice %arg11[%rem3A_121, %dma_start3A_122] : memref<2x16384xi32, #tpu.memory_space<vmem_shared>> -> memref<1x4096xi32, #tpu.memory_space<vmem_shared>>
      %dma_start3A_124 = tpu.memref_squeeze %dma_start3A_123 : memref<1x4096xi32, #tpu.memory_space<vmem_shared>> -> memref<4096xi32, #tpu.memory_space<vmem_shared>>
      %dma_start3A_125 = arith.constant 12288 : i32
      %dma_start3A_126 = tpu.memref_slice %arg11[%rem3A_121, %dma_start3A_125] : memref<2x16384xi32, #tpu.memory_space<vmem_shared>> -> memref<1x4096xi32, #tpu.memory_space<vmem_shared>>
      %dma_start3A_127 = tpu.memref_squeeze %dma_start3A_126 : memref<1x4096xi32, #tpu.memory_space<vmem_shared>> -> memref<4096xi32, #tpu.memory_space<vmem_shared>>
      tpu.enqueue_dma source(%dma_start3A_127 : memref<4096xi32, #tpu.memory_space<vmem_shared>>) target(%arg7 : memref<4096xi32, #tpu.memory_space<vmem>>) target_semaphore(%arg15 : memref<!tpu.dma_semaphore, #tpu.memory_space<semaphore_mem>>)
      %dma_wait3A_128 = arith.constant 0 : i32
      %dma_wait3A_129 = arith.constant 0 : i32
      %dma_wait3A_130 = tpu.memref_slice %arg4[%dma_wait3A_128, %add3A, %dma_wait3A_129] : memref<26x32x16384xf32, #tpu.memory_space<hbm>> -> memref<1x1x4096xf32, #tpu.memory_space<hbm>>
      %dma_wait3A_131 = tpu.memref_squeeze %dma_wait3A_130 : memref<1x1x4096xf32, #tpu.memory_space<hbm>> -> memref<4096xf32, #tpu.memory_space<hbm>>
      %dma_wait3A_132 = arith.constant 0 : i32
      %dma_wait3A_133 = tpu.memref_slice %arg4[%dma_wait3A_128, %add3A, %dma_wait3A_132] : memref<26x32x16384xf32, #tpu.memory_space<hbm>> -> memref<1x1x4096xf32, #tpu.memory_space<hbm>>
      %dma_wait3A_134 = tpu.memref_squeeze %dma_wait3A_133 : memref<1x1x4096xf32, #tpu.memory_space<hbm>> -> memref<4096xf32, #tpu.memory_space<hbm>>
      tpu.wait_dma2 semaphore(%arg16 : memref<!tpu.dma_semaphore, #tpu.memory_space<semaphore_mem>>) src(%arg8 : memref<4096xi32, #tpu.memory_space<vmem>>) dst(%dma_wait3A_134 : memref<4096xf32, #tpu.memory_space<hbm>>)
      %gt3A_135 = arith.constant 0 : i32
      %gt3A_136 = arith.cmpi sgt, %scan3A_57, %gt3A_135 : i32
      %convert_element_type3A_137 = arith.extui %gt3A_136 : i1 to i32
      %cond3A_138 = arith.constant 0 : i32
      %cond3A_139 = arith.cmpi ne, %convert_element_type3A_137, %cond3A_138 : i32
      scf.if %cond3A_139 {
        %dma_wait3A_254 = arith.constant 0 : i32
        %dma_wait3A_255 = arith.constant 0 : i32
        %dma_wait3A_256 = tpu.memref_slice %arg10[%dma_wait3A_255] : memref<16384xf32, #tpu.memory_space<vmem>> -> memref<4096xf32, #tpu.memory_space<vmem>>
        %dma_wait3A_257 = arith.constant 0 : i32
        %dma_wait3A_258 = tpu.memref_slice %arg4[%dma_wait3A_254, %add3A, %dma_wait3A_257] : memref<26x32x16384xf32, #tpu.memory_space<hbm>> -> memref<1x1x4096xf32, #tpu.memory_space<hbm>>
        %dma_wait3A_259 = tpu.memref_squeeze %dma_wait3A_258 : memref<1x1x4096xf32, #tpu.memory_space<hbm>> -> memref<4096xf32, #tpu.memory_space<hbm>>
        %dma_wait3A_260 = arith.constant 0 : i32
        %dma_wait3A_261 = tpu.memref_slice %arg4[%dma_wait3A_254, %add3A, %dma_wait3A_260] : memref<26x32x16384xf32, #tpu.memory_space<hbm>> -> memref<1x1x4096xf32, #tpu.memory_space<hbm>>
        %dma_wait3A_262 = tpu.memref_squeeze %dma_wait3A_261 : memref<1x1x4096xf32, #tpu.memory_space<hbm>> -> memref<4096xf32, #tpu.memory_space<hbm>>
        %dma_wait3A_263 = arith.constant 0 : i32
        %dma_wait3A_264 = tpu.memref_slice %arg10[%dma_wait3A_263] : memref<16384xf32, #tpu.memory_space<vmem>> -> memref<4096xf32, #tpu.memory_space<vmem>>
        tpu.wait_dma2 semaphore(%arg19 : memref<!tpu.dma_semaphore, #tpu.memory_space<semaphore_mem>>) src(%dma_wait3A_264 : memref<4096xf32, #tpu.memory_space<vmem>>) dst(%dma_wait3A_262 : memref<4096xf32, #tpu.memory_space<hbm>>)
      } else {
      }
      %parallel_loop3A_140 = arith.constant 0 : i32
      %parallel_loop3A_141 = arith.constant 4096 : i32
      %parallel_loop3A_142 = arith.constant 16 : i32
      scf.for %parallel_loop3A_254 = %parallel_loop3A_140 to %parallel_loop3A_141 step %parallel_loop3A_142  : i32 {
        %parallel_loop3A_255 = arith.index_cast %parallel_loop3A_254 : i32 to index
        %parallel_loop3A_256 = tpu.vector_load %arg8[%parallel_loop3A_255] {strides = array<i32>} : memref<4096xi32, #tpu.memory_space<vmem>>, vector<16xi32>,
        %parallel_loop3A_257 = tpu.vector_load_idx %arg5[%parallel_loop3A_256] : memref<42368xf32, #tpu.memory_space<vmem>>[vector<16xi32>], vector<16xf32>,
        %parallel_loop3A_258 = arith.constant 4096 : i32
        %parallel_loop3A_259 = arith.addi %parallel_loop3A_258, %parallel_loop3A_254 : i32
        %parallel_loop3A_260 = arith.index_cast %parallel_loop3A_259 : i32 to index
        %parallel_loop3A_261 = tpu.vector_load %arg10[%parallel_loop3A_260] {strides = array<i32>} : memref<16384xf32, #tpu.memory_space<vmem>>, vector<16xf32>,
        tpu.vector_store %arg10[%parallel_loop3A_260], %parallel_loop3A_257 {strides = array<i32>} : memref<16384xf32, #tpu.memory_space<vmem>>, vector<16xf32>,
      } {sc.loop_unroll_factor = 8 : i64, sc.parallel_access}
      %dma_wait3A_143 = arith.constant 0 : i32
      %dma_wait3A_144 = arith.constant 0 : i32
      %dma_wait3A_145 = tpu.memref_slice %arg4[%dma_wait3A_143, %add3A, %dma_wait3A_144] : memref<26x32x16384xf32, #tpu.memory_space<hbm>> -> memref<1x1x4096xf32, #tpu.memory_space<hbm>>
      %dma_wait3A_146 = tpu.memref_squeeze %dma_wait3A_145 : memref<1x1x4096xf32, #tpu.memory_space<hbm>> -> memref<4096xf32, #tpu.memory_space<hbm>>
      %dma_wait3A_147 = arith.constant 0 : i32
      %dma_wait3A_148 = tpu.memref_slice %arg4[%dma_wait3A_143, %add3A, %dma_wait3A_147] : memref<26x32x16384xf32, #tpu.memory_space<hbm>> -> memref<1x1x4096xf32, #tpu.memory_space<hbm>>
      %dma_wait3A_149 = tpu.memref_squeeze %dma_wait3A_148 : memref<1x1x4096xf32, #tpu.memory_space<hbm>> -> memref<4096xf32, #tpu.memory_space<hbm>>
      tpu.wait_dma2 semaphore(%arg17 : memref<!tpu.dma_semaphore, #tpu.memory_space<semaphore_mem>>) src(%arg9 : memref<4096xi32, #tpu.memory_space<vmem>>) dst(%dma_wait3A_149 : memref<4096xf32, #tpu.memory_space<hbm>>)
      %gt3A_150 = arith.constant 0 : i32
      %gt3A_151 = arith.cmpi sgt, %scan3A_57, %gt3A_150 : i32
      %convert_element_type3A_152 = arith.extui %gt3A_151 : i1 to i32
      %cond3A_153 = arith.constant 0 : i32
      %cond3A_154 = arith.cmpi ne, %convert_element_type3A_152, %cond3A_153 : i32
      scf.if %cond3A_154 {
        %dma_wait3A_254 = arith.constant 0 : i32
        %dma_wait3A_255 = arith.constant 0 : i32
        %dma_wait3A_256 = tpu.memref_slice %arg10[%dma_wait3A_255] : memref<16384xf32, #tpu.memory_space<vmem>> -> memref<4096xf32, #tpu.memory_space<vmem>>
        %dma_wait3A_257 = arith.constant 0 : i32
        %dma_wait3A_258 = tpu.memref_slice %arg4[%dma_wait3A_254, %add3A, %dma_wait3A_257] : memref<26x32x16384xf32, #tpu.memory_space<hbm>> -> memref<1x1x4096xf32, #tpu.memory_space<hbm>>
        %dma_wait3A_259 = tpu.memref_squeeze %dma_wait3A_258 : memref<1x1x4096xf32, #tpu.memory_space<hbm>> -> memref<4096xf32, #tpu.memory_space<hbm>>
        %dma_wait3A_260 = arith.constant 0 : i32
        %dma_wait3A_261 = tpu.memref_slice %arg4[%dma_wait3A_254, %add3A, %dma_wait3A_260] : memref<26x32x16384xf32, #tpu.memory_space<hbm>> -> memref<1x1x4096xf32, #tpu.memory_space<hbm>>
        %dma_wait3A_262 = tpu.memref_squeeze %dma_wait3A_261 : memref<1x1x4096xf32, #tpu.memory_space<hbm>> -> memref<4096xf32, #tpu.memory_space<hbm>>
        %dma_wait3A_263 = arith.constant 0 : i32
        %dma_wait3A_264 = tpu.memref_slice %arg10[%dma_wait3A_263] : memref<16384xf32, #tpu.memory_space<vmem>> -> memref<4096xf32, #tpu.memory_space<vmem>>
        tpu.wait_dma2 semaphore(%arg20 : memref<!tpu.dma_semaphore, #tpu.memory_space<semaphore_mem>>) src(%dma_wait3A_264 : memref<4096xf32, #tpu.memory_space<vmem>>) dst(%dma_wait3A_262 : memref<4096xf32, #tpu.memory_space<hbm>>)
      } else {
      }
      %parallel_loop3A_155 = arith.constant 0 : i32
      %parallel_loop3A_156 = arith.constant 4096 : i32
      %parallel_loop3A_157 = arith.constant 16 : i32
      scf.for %parallel_loop3A_254 = %parallel_loop3A_155 to %parallel_loop3A_156 step %parallel_loop3A_157  : i32 {
        %parallel_loop3A_255 = arith.index_cast %parallel_loop3A_254 : i32 to index
        %parallel_loop3A_256 = tpu.vector_load %arg9[%parallel_loop3A_255] {strides = array<i32>} : memref<4096xi32, #tpu.memory_space<vmem>>, vector<16xi32>,
        %parallel_loop3A_257 = tpu.vector_load_idx %arg5[%parallel_loop3A_256] : memref<42368xf32, #tpu.memory_space<vmem>>[vector<16xi32>], vector<16xf32>,
        %parallel_loop3A_258 = arith.constant 8192 : i32
        %parallel_loop3A_259 = arith.addi %parallel_loop3A_258, %parallel_loop3A_254 : i32
        %parallel_loop3A_260 = arith.index_cast %parallel_loop3A_259 : i32 to index
        %parallel_loop3A_261 = tpu.vector_load %arg10[%parallel_loop3A_260] {strides = array<i32>} : memref<16384xf32, #tpu.memory_space<vmem>>, vector<16xf32>,
        tpu.vector_store %arg10[%parallel_loop3A_260], %parallel_loop3A_257 {strides = array<i32>} : memref<16384xf32, #tpu.memory_space<vmem>>, vector<16xf32>,
      } {sc.loop_unroll_factor = 8 : i64, sc.parallel_access}
      %dma_wait3A_158 = arith.constant 0 : i32
      %dma_wait3A_159 = arith.constant 0 : i32
      %dma_wait3A_160 = tpu.memref_slice %arg4[%dma_wait3A_158, %add3A, %dma_wait3A_159] : memref<26x32x16384xf32, #tpu.memory_space<hbm>> -> memref<1x1x4096xf32, #tpu.memory_space<hbm>>
      %dma_wait3A_161 = tpu.memref_squeeze %dma_wait3A_160 : memref<1x1x4096xf32, #tpu.memory_space<hbm>> -> memref<4096xf32, #tpu.memory_space<hbm>>
      %dma_wait3A_162 = arith.constant 0 : i32
      %dma_wait3A_163 = tpu.memref_slice %arg4[%dma_wait3A_158, %add3A, %dma_wait3A_162] : memref<26x32x16384xf32, #tpu.memory_space<hbm>> -> memref<1x1x4096xf32, #tpu.memory_space<hbm>>
      %dma_wait3A_164 = tpu.memref_squeeze %dma_wait3A_163 : memref<1x1x4096xf32, #tpu.memory_space<hbm>> -> memref<4096xf32, #tpu.memory_space<hbm>>
      tpu.wait_dma2 semaphore(%arg15 : memref<!tpu.dma_semaphore, #tpu.memory_space<semaphore_mem>>) src(%arg7 : memref<4096xi32, #tpu.memory_space<vmem>>) dst(%dma_wait3A_164 : memref<4096xf32, #tpu.memory_space<hbm>>)
      %gt3A_165 = arith.constant 0 : i32
      %gt3A_166 = arith.cmpi sgt, %scan3A_57, %gt3A_165 : i32
      %convert_element_type3A_167 = arith.extui %gt3A_166 : i1 to i32
      %cond3A_168 = arith.constant 0 : i32
      %cond3A_169 = arith.cmpi ne, %convert_element_type3A_167, %cond3A_168 : i32
      scf.if %cond3A_169 {
        %dma_wait3A_254 = arith.constant 0 : i32
        %dma_wait3A_255 = arith.constant 0 : i32
        %dma_wait3A_256 = tpu.memref_slice %arg10[%dma_wait3A_255] : memref<16384xf32, #tpu.memory_space<vmem>> -> memref<4096xf32, #tpu.memory_space<vmem>>
        %dma_wait3A_257 = arith.constant 0 : i32
        %dma_wait3A_258 = tpu.memref_slice %arg4[%dma_wait3A_254, %add3A, %dma_wait3A_257] : memref<26x32x16384xf32, #tpu.memory_space<hbm>> -> memref<1x1x4096xf32, #tpu.memory_space<hbm>>
        %dma_wait3A_259 = tpu.memref_squeeze %dma_wait3A_258 : memref<1x1x4096xf32, #tpu.memory_space<hbm>> -> memref<4096xf32, #tpu.memory_space<hbm>>
        %dma_wait3A_260 = arith.constant 0 : i32
        %dma_wait3A_261 = tpu.memref_slice %arg4[%dma_wait3A_254, %add3A, %dma_wait3A_260] : memref<26x32x16384xf32, #tpu.memory_space<hbm>> -> memref<1x1x4096xf32, #tpu.memory_space<hbm>>
        %dma_wait3A_262 = tpu.memref_squeeze %dma_wait3A_261 : memref<1x1x4096xf32, #tpu.memory_space<hbm>> -> memref<4096xf32, #tpu.memory_space<hbm>>
        %dma_wait3A_263 = arith.constant 0 : i32
        %dma_wait3A_264 = tpu.memref_slice %arg10[%dma_wait3A_263] : memref<16384xf32, #tpu.memory_space<vmem>> -> memref<4096xf32, #tpu.memory_space<vmem>>
        tpu.wait_dma2 semaphore(%arg21 : memref<!tpu.dma_semaphore, #tpu.memory_space<semaphore_mem>>) src(%dma_wait3A_264 : memref<4096xf32, #tpu.memory_space<vmem>>) dst(%dma_wait3A_262 : memref<4096xf32, #tpu.memory_space<hbm>>)
      } else {
      }
      %parallel_loop3A_170 = arith.constant 0 : i32
      %parallel_loop3A_171 = arith.constant 4096 : i32
      %parallel_loop3A_172 = arith.constant 16 : i32
      scf.for %parallel_loop3A_254 = %parallel_loop3A_170 to %parallel_loop3A_171 step %parallel_loop3A_172  : i32 {
        %parallel_loop3A_255 = arith.index_cast %parallel_loop3A_254 : i32 to index
        %parallel_loop3A_256 = tpu.vector_load %arg7[%parallel_loop3A_255] {strides = array<i32>} : memref<4096xi32, #tpu.memory_space<vmem>>, vector<16xi32>,
        %parallel_loop3A_257 = tpu.vector_load_idx %arg5[%parallel_loop3A_256] : memref<42368xf32, #tpu.memory_space<vmem>>[vector<16xi32>], vector<16xf32>,
        %parallel_loop3A_258 = arith.constant 12288 : i32
        %parallel_loop3A_259 = arith.addi %parallel_loop3A_258, %parallel_loop3A_254 : i32
        %parallel_loop3A_260 = arith.index_cast %parallel_loop3A_259 : i32 to index
        %parallel_loop3A_261 = tpu.vector_load %arg10[%parallel_loop3A_260] {strides = array<i32>} : memref<16384xf32, #tpu.memory_space<vmem>>, vector<16xf32>,
        tpu.vector_store %arg10[%parallel_loop3A_260], %parallel_loop3A_257 {strides = array<i32>} : memref<16384xf32, #tpu.memory_space<vmem>>, vector<16xf32>,
      } {sc.loop_unroll_factor = 8 : i64, sc.parallel_access}
      %dma_wait3A_173 = arith.constant 0 : i32
      %dma_wait3A_174 = arith.constant 42368 : i32
      %dma_wait3A_175 = tpu.memref_slice %arg2[%dma_wait3A_173, %add3A, %dma_wait3A_174] : memref<26x32x100000xf32, #tpu.memory_space<hbm>> -> memref<1x1x57632xf32, #tpu.memory_space<hbm>>
      %dma_wait3A_176 = tpu.memref_squeeze %dma_wait3A_175 : memref<1x1x57632xf32, #tpu.memory_space<hbm>> -> memref<57632xf32, #tpu.memory_space<hbm>>
      %dma_wait3A_177 = arith.constant 42368 : i32
      %dma_wait3A_178 = tpu.memref_slice %arg2[%dma_wait3A_173, %add3A, %dma_wait3A_177] : memref<26x32x100000xf32, #tpu.memory_space<hbm>> -> memref<1x1x57632xf32, #tpu.memory_space<hbm>>
      %dma_wait3A_179 = tpu.memref_squeeze %dma_wait3A_178 : memref<1x1x57632xf32, #tpu.memory_space<hbm>> -> memref<57632xf32, #tpu.memory_space<hbm>>
      tpu.wait_dma2 semaphore(%arg13 : memref<!tpu.dma_semaphore, #tpu.memory_space<semaphore_mem>>) src(%arg6 : memref<57632xf32, #tpu.memory_space<vmem>>) dst(%dma_wait3A_179 : memref<57632xf32, #tpu.memory_space<hbm>>)
      %add3A_180 = arith.constant 1 : i32
      %add3A_181 = arith.addi %scan3A_57, %add3A_180 : i32
      %lt3A_182 = arith.constant 26 : i32
      %lt3A_183 = arith.cmpi slt, %add3A_181, %lt3A_182 : i32
      %convert_element_type3A_184 = arith.extui %lt3A_183 : i1 to i32
      %cond3A_185 = arith.constant 0 : i32
      %cond3A_186 = arith.cmpi ne, %convert_element_type3A_184, %cond3A_185 : i32
      scf.if %cond3A_186 {
        %add3A_254 = arith.constant 1 : i32
        %add3A_255 = arith.addi %scan3A_57, %add3A_254 : i32
        %dma_start3A_256 = arith.constant 0 : i32
        %dma_start3A_257 = tpu.memref_slice %arg2[%add3A_255, %add3A, %dma_start3A_256] : memref<26x32x100000xf32, #tpu.memory_space<hbm>> -> memref<1x1x42368xf32, #tpu.memory_space<hbm>>
        %dma_start3A_258 = tpu.memref_squeeze %dma_start3A_257 : memref<1x1x42368xf32, #tpu.memory_space<hbm>> -> memref<42368xf32, #tpu.memory_space<hbm>>
        %dma_start3A_259 = arith.constant 0 : i32
        %dma_start3A_260 = tpu.memref_slice %arg2[%add3A_255, %add3A, %dma_start3A_259] : memref<26x32x100000xf32, #tpu.memory_space<hbm>> -> memref<1x1x42368xf32, #tpu.memory_space<hbm>>
        %dma_start3A_261 = tpu.memref_squeeze %dma_start3A_260 : memref<1x1x42368xf32, #tpu.memory_space<hbm>> -> memref<42368xf32, #tpu.memory_space<hbm>>
        tpu.enqueue_dma source(%dma_start3A_261 : memref<42368xf32, #tpu.memory_space<hbm>>) target(%arg5 : memref<42368xf32, #tpu.memory_space<vmem>>) target_semaphore(%arg12 : memref<!tpu.dma_semaphore, #tpu.memory_space<semaphore_mem>>)
      } else {
      }
      %parallel_loop3A_187 = arith.constant 0 : i32
      %parallel_loop3A_188 = arith.constant 4096 : i32
      %parallel_loop3A_189 = arith.constant 16 : i32
      scf.for %parallel_loop3A_254 = %parallel_loop3A_187 to %parallel_loop3A_188 step %parallel_loop3A_189  : i32 {
        %parallel_loop3A_255 = arith.index_cast %parallel_loop3A_254 : i32 to index
        %parallel_loop3A_256 = tpu.vector_load %arg7[%parallel_loop3A_255] {strides = array<i32>} : memref<4096xi32, #tpu.memory_space<vmem>>, vector<16xi32>,
        %parallel_loop3A_257 = arith.constant 42368 : i32
        %parallel_loop3A_258 = vector.broadcast %parallel_loop3A_257 : i32 to vector<16xi32>
        %parallel_loop3A_259 = arith.cmpi sge, %parallel_loop3A_256, %parallel_loop3A_258 : vector<16xi32>
        %parallel_loop3A_260 = arith.constant 42368 : i32
        %parallel_loop3A_261 = vector.broadcast %parallel_loop3A_260 : i32 to vector<16xi32>
        %parallel_loop3A_262 = arith.subi %parallel_loop3A_256, %parallel_loop3A_261 : vector<16xi32>
        %parallel_loop3A_263 = tpu.vector_load_idx %arg6[%parallel_loop3A_262] masked %parallel_loop3A_259 : memref<57632xf32, #tpu.memory_space<vmem>>[vector<16xi32>], vector<16xf32>, vector<16xi1>
        %parallel_loop3A_264 = arith.constant 12288 : i32
        %parallel_loop3A_265 = arith.addi %parallel_loop3A_264, %parallel_loop3A_254 : i32
        %parallel_loop3A_266 = vector.broadcast %parallel_loop3A_265 : i32 to vector<16xi32>
        %parallel_loop3A_267 = arith.addi %iota3A, %parallel_loop3A_266 : vector<16xi32>
        tpu.vector_store_idx %arg10[%parallel_loop3A_267], %parallel_loop3A_263 masked %parallel_loop3A_259 : memref<16384xf32, #tpu.memory_space<vmem>>[vector<16xi32>], vector<16xf32>, vector<16xi1>
      } {sc.loop_unroll_factor = 8 : i64, sc.parallel_access}
      %dma_start3A_190 = arith.constant 12288 : i32
      %dma_start3A_191 = tpu.memref_slice %arg10[%dma_start3A_190] : memref<16384xf32, #tpu.memory_space<vmem>> -> memref<4096xf32, #tpu.memory_space<vmem>>
      %dma_start3A_192 = arith.constant 12288 : i32
      %dma_start3A_193 = tpu.memref_slice %arg4[%scan3A_57, %add3A, %dma_start3A_192] : memref<26x32x16384xf32, #tpu.memory_space<hbm>> -> memref<1x1x4096xf32, #tpu.memory_space<hbm>>
      %dma_start3A_194 = tpu.memref_squeeze %dma_start3A_193 : memref<1x1x4096xf32, #tpu.memory_space<hbm>> -> memref<4096xf32, #tpu.memory_space<hbm>>
      %dma_start3A_195 = arith.constant 12288 : i32
      %dma_start3A_196 = tpu.memref_slice %arg4[%scan3A_57, %add3A, %dma_start3A_195] : memref<26x32x16384xf32, #tpu.memory_space<hbm>> -> memref<1x1x4096xf32, #tpu.memory_space<hbm>>
      %dma_start3A_197 = tpu.memref_squeeze %dma_start3A_196 : memref<1x1x4096xf32, #tpu.memory_space<hbm>> -> memref<4096xf32, #tpu.memory_space<hbm>>
      %dma_start3A_198 = arith.constant 12288 : i32
      %dma_start3A_199 = tpu.memref_slice %arg10[%dma_start3A_198] : memref<16384xf32, #tpu.memory_space<vmem>> -> memref<4096xf32, #tpu.memory_space<vmem>>
      tpu.enqueue_dma source(%dma_start3A_199 : memref<4096xf32, #tpu.memory_space<vmem>>) target(%dma_start3A_197 : memref<4096xf32, #tpu.memory_space<hbm>>) target_semaphore(%arg21 : memref<!tpu.dma_semaphore, #tpu.memory_space<semaphore_mem>>)
      %parallel_loop3A_200 = arith.constant 0 : i32
      %parallel_loop3A_201 = arith.constant 4096 : i32
      %parallel_loop3A_202 = arith.constant 16 : i32
      scf.for %parallel_loop3A_254 = %parallel_loop3A_200 to %parallel_loop3A_201 step %parallel_loop3A_202  : i32 {
        %parallel_loop3A_255 = arith.index_cast %parallel_loop3A_254 : i32 to index
        %parallel_loop3A_256 = tpu.vector_load %arg8[%parallel_loop3A_255] {strides = array<i32>} : memref<4096xi32, #tpu.memory_space<vmem>>, vector<16xi32>,
        %parallel_loop3A_257 = arith.constant 42368 : i32
        %parallel_loop3A_258 = vector.broadcast %parallel_loop3A_257 : i32 to vector<16xi32>
        %parallel_loop3A_259 = arith.cmpi sge, %parallel_loop3A_256, %parallel_loop3A_258 : vector<16xi32>
        %parallel_loop3A_260 = arith.constant 42368 : i32
        %parallel_loop3A_261 = vector.broadcast %parallel_loop3A_260 : i32 to vector<16xi32>
        %parallel_loop3A_262 = arith.subi %parallel_loop3A_256, %parallel_loop3A_261 : vector<16xi32>
        %parallel_loop3A_263 = tpu.vector_load_idx %arg6[%parallel_loop3A_262] masked %parallel_loop3A_259 : memref<57632xf32, #tpu.memory_space<vmem>>[vector<16xi32>], vector<16xf32>, vector<16xi1>
        %parallel_loop3A_264 = arith.constant 4096 : i32
        %parallel_loop3A_265 = arith.addi %parallel_loop3A_264, %parallel_loop3A_254 : i32
        %parallel_loop3A_266 = vector.broadcast %parallel_loop3A_265 : i32 to vector<16xi32>
        %parallel_loop3A_267 = arith.addi %iota3A, %parallel_loop3A_266 : vector<16xi32>
        tpu.vector_store_idx %arg10[%parallel_loop3A_267], %parallel_loop3A_263 masked %parallel_loop3A_259 : memref<16384xf32, #tpu.memory_space<vmem>>[vector<16xi32>], vector<16xf32>, vector<16xi1>
      } {sc.loop_unroll_factor = 8 : i64, sc.parallel_access}
      %dma_start3A_203 = arith.constant 4096 : i32
      %dma_start3A_204 = tpu.memref_slice %arg10[%dma_start3A_203] : memref<16384xf32, #tpu.memory_space<vmem>> -> memref<4096xf32, #tpu.memory_space<vmem>>
      %dma_start3A_205 = arith.constant 4096 : i32
      %dma_start3A_206 = tpu.memref_slice %arg4[%scan3A_57, %add3A, %dma_start3A_205] : memref<26x32x16384xf32, #tpu.memory_space<hbm>> -> memref<1x1x4096xf32, #tpu.memory_space<hbm>>
      %dma_start3A_207 = tpu.memref_squeeze %dma_start3A_206 : memref<1x1x4096xf32, #tpu.memory_space<hbm>> -> memref<4096xf32, #tpu.memory_space<hbm>>
      %dma_start3A_208 = arith.constant 4096 : i32
      %dma_start3A_209 = tpu.memref_slice %arg4[%scan3A_57, %add3A, %dma_start3A_208] : memref<26x32x16384xf32, #tpu.memory_space<hbm>> -> memref<1x1x4096xf32, #tpu.memory_space<hbm>>
      %dma_start3A_210 = tpu.memref_squeeze %dma_start3A_209 : memref<1x1x4096xf32, #tpu.memory_space<hbm>> -> memref<4096xf32, #tpu.memory_space<hbm>>
      %dma_start3A_211 = arith.constant 4096 : i32
      %dma_start3A_212 = tpu.memref_slice %arg10[%dma_start3A_211] : memref<16384xf32, #tpu.memory_space<vmem>> -> memref<4096xf32, #tpu.memory_space<vmem>>
      tpu.enqueue_dma source(%dma_start3A_212 : memref<4096xf32, #tpu.memory_space<vmem>>) target(%dma_start3A_210 : memref<4096xf32, #tpu.memory_space<hbm>>) target_semaphore(%arg19 : memref<!tpu.dma_semaphore, #tpu.memory_space<semaphore_mem>>)
      %rem3A_213 = arith.constant 2 : i32
      %rem3A_214 = arith.remsi %scan3A_57, %rem3A_213 : i32
      %dma_start3A_215 = arith.constant 0 : i32
      %dma_start3A_216 = tpu.memref_slice %arg11[%rem3A_214, %dma_start3A_215] : memref<2x16384xi32, #tpu.memory_space<vmem_shared>> -> memref<1x4096xi32, #tpu.memory_space<vmem_shared>>
      %dma_start3A_217 = tpu.memref_squeeze %dma_start3A_216 : memref<1x4096xi32, #tpu.memory_space<vmem_shared>> -> memref<4096xi32, #tpu.memory_space<vmem_shared>>
      %dma_start3A_218 = arith.constant 0 : i32
      %dma_start3A_219 = tpu.memref_slice %arg11[%rem3A_214, %dma_start3A_218] : memref<2x16384xi32, #tpu.memory_space<vmem_shared>> -> memref<1x4096xi32, #tpu.memory_space<vmem_shared>>
      %dma_start3A_220 = tpu.memref_squeeze %dma_start3A_219 : memref<1x4096xi32, #tpu.memory_space<vmem_shared>> -> memref<4096xi32, #tpu.memory_space<vmem_shared>>
      tpu.enqueue_dma source(%dma_start3A_220 : memref<4096xi32, #tpu.memory_space<vmem_shared>>) target(%arg8 : memref<4096xi32, #tpu.memory_space<vmem>>) target_semaphore(%arg16 : memref<!tpu.dma_semaphore, #tpu.memory_space<semaphore_mem>>)
      %parallel_loop3A_221 = arith.constant 0 : i32
      %parallel_loop3A_222 = arith.constant 4096 : i32
      %parallel_loop3A_223 = arith.constant 16 : i32
      scf.for %parallel_loop3A_254 = %parallel_loop3A_221 to %parallel_loop3A_222 step %parallel_loop3A_223  : i32 {
        %parallel_loop3A_255 = arith.index_cast %parallel_loop3A_254 : i32 to index
        %parallel_loop3A_256 = tpu.vector_load %arg9[%parallel_loop3A_255] {strides = array<i32>} : memref<4096xi32, #tpu.memory_space<vmem>>, vector<16xi32>,
        %parallel_loop3A_257 = arith.constant 42368 : i32
        %parallel_loop3A_258 = vector.broadcast %parallel_loop3A_257 : i32 to vector<16xi32>
        %parallel_loop3A_259 = arith.cmpi sge, %parallel_loop3A_256, %parallel_loop3A_258 : vector<16xi32>
        %parallel_loop3A_260 = arith.constant 42368 : i32
        %parallel_loop3A_261 = vector.broadcast %parallel_loop3A_260 : i32 to vector<16xi32>
        %parallel_loop3A_262 = arith.subi %parallel_loop3A_256, %parallel_loop3A_261 : vector<16xi32>
        %parallel_loop3A_263 = tpu.vector_load_idx %arg6[%parallel_loop3A_262] masked %parallel_loop3A_259 : memref<57632xf32, #tpu.memory_space<vmem>>[vector<16xi32>], vector<16xf32>, vector<16xi1>
        %parallel_loop3A_264 = arith.constant 8192 : i32
        %parallel_loop3A_265 = arith.addi %parallel_loop3A_264, %parallel_loop3A_254 : i32
        %parallel_loop3A_266 = vector.broadcast %parallel_loop3A_265 : i32 to vector<16xi32>
        %parallel_loop3A_267 = arith.addi %iota3A, %parallel_loop3A_266 : vector<16xi32>
        tpu.vector_store_idx %arg10[%parallel_loop3A_267], %parallel_loop3A_263 masked %parallel_loop3A_259 : memref<16384xf32, #tpu.memory_space<vmem>>[vector<16xi32>], vector<16xf32>, vector<16xi1>
      } {sc.loop_unroll_factor = 8 : i64, sc.parallel_access}
      %dma_start3A_224 = arith.constant 8192 : i32
      %dma_start3A_225 = tpu.memref_slice %arg10[%dma_start3A_224] : memref<16384xf32, #tpu.memory_space<vmem>> -> memref<4096xf32, #tpu.memory_space<vmem>>
      %dma_start3A_226 = arith.constant 8192 : i32
      %dma_start3A_227 = tpu.memref_slice %arg4[%scan3A_57, %add3A, %dma_start3A_226] : memref<26x32x16384xf32, #tpu.memory_space<hbm>> -> memref<1x1x4096xf32, #tpu.memory_space<hbm>>
      %dma_start3A_228 = tpu.memref_squeeze %dma_start3A_227 : memref<1x1x4096xf32, #tpu.memory_space<hbm>> -> memref<4096xf32, #tpu.memory_space<hbm>>
      %dma_start3A_229 = arith.constant 8192 : i32
      %dma_start3A_230 = tpu.memref_slice %arg4[%scan3A_57, %add3A, %dma_start3A_229] : memref<26x32x16384xf32, #tpu.memory_space<hbm>> -> memref<1x1x4096xf32, #tpu.memory_space<hbm>>
      %dma_start3A_231 = tpu.memref_squeeze %dma_start3A_230 : memref<1x1x4096xf32, #tpu.memory_space<hbm>> -> memref<4096xf32, #tpu.memory_space<hbm>>
      %dma_start3A_232 = arith.constant 8192 : i32
      %dma_start3A_233 = tpu.memref_slice %arg10[%dma_start3A_232] : memref<16384xf32, #tpu.memory_space<vmem>> -> memref<4096xf32, #tpu.memory_space<vmem>>
      tpu.enqueue_dma source(%dma_start3A_233 : memref<4096xf32, #tpu.memory_space<vmem>>) target(%dma_start3A_231 : memref<4096xf32, #tpu.memory_space<hbm>>) target_semaphore(%arg20 : memref<!tpu.dma_semaphore, #tpu.memory_space<semaphore_mem>>)
      %dma_wait3A_234 = arith.constant 0 : i32
      %dma_wait3A_235 = arith.constant 0 : i32
      %dma_wait3A_236 = tpu.memref_slice %arg4[%dma_wait3A_234, %add3A, %dma_wait3A_235] : memref<26x32x16384xf32, #tpu.memory_space<hbm>> -> memref<1x1x4096xf32, #tpu.memory_space<hbm>>
      %dma_wait3A_237 = tpu.memref_squeeze %dma_wait3A_236 : memref<1x1x4096xf32, #tpu.memory_space<hbm>> -> memref<4096xf32, #tpu.memory_space<hbm>>
      %dma_wait3A_238 = arith.constant 0 : i32
      %dma_wait3A_239 = tpu.memref_slice %arg4[%dma_wait3A_234, %add3A, %dma_wait3A_238] : memref<26x32x16384xf32, #tpu.memory_space<hbm>> -> memref<1x1x4096xf32, #tpu.memory_space<hbm>>
      %dma_wait3A_240 = tpu.memref_squeeze %dma_wait3A_239 : memref<1x1x4096xf32, #tpu.memory_space<hbm>> -> memref<4096xf32, #tpu.memory_space<hbm>>
      tpu.wait_dma2 semaphore(%arg16 : memref<!tpu.dma_semaphore, #tpu.memory_space<semaphore_mem>>) src(%arg8 : memref<4096xi32, #tpu.memory_space<vmem>>) dst(%dma_wait3A_240 : memref<4096xf32, #tpu.memory_space<hbm>>)
      %parallel_loop3A_241 = arith.constant 0 : i32
      %parallel_loop3A_242 = arith.constant 4096 : i32
      %parallel_loop3A_243 = arith.constant 16 : i32
      scf.for %parallel_loop3A_254 = %parallel_loop3A_241 to %parallel_loop3A_242 step %parallel_loop3A_243  : i32 {
        %parallel_loop3A_255 = arith.index_cast %parallel_loop3A_254 : i32 to index
        %parallel_loop3A_256 = tpu.vector_load %arg8[%parallel_loop3A_255] {strides = array<i32>} : memref<4096xi32, #tpu.memory_space<vmem>>, vector<16xi32>,
        %parallel_loop3A_257 = arith.constant 42368 : i32
        %parallel_loop3A_258 = vector.broadcast %parallel_loop3A_257 : i32 to vector<16xi32>
        %parallel_loop3A_259 = arith.cmpi sge, %parallel_loop3A_256, %parallel_loop3A_258 : vector<16xi32>
        %parallel_loop3A_260 = arith.constant 42368 : i32
        %parallel_loop3A_261 = vector.broadcast %parallel_loop3A_260 : i32 to vector<16xi32>
        %parallel_loop3A_262 = arith.subi %parallel_loop3A_256, %parallel_loop3A_261 : vector<16xi32>
        %parallel_loop3A_263 = tpu.vector_load_idx %arg6[%parallel_loop3A_262] masked %parallel_loop3A_259 : memref<57632xf32, #tpu.memory_space<vmem>>[vector<16xi32>], vector<16xf32>, vector<16xi1>
        %parallel_loop3A_264 = arith.constant 0 : i32
        %parallel_loop3A_265 = arith.addi %parallel_loop3A_264, %parallel_loop3A_254 : i32
        %parallel_loop3A_266 = vector.broadcast %parallel_loop3A_265 : i32 to vector<16xi32>
        %parallel_loop3A_267 = arith.addi %iota3A, %parallel_loop3A_266 : vector<16xi32>
        tpu.vector_store_idx %arg10[%parallel_loop3A_267], %parallel_loop3A_263 masked %parallel_loop3A_259 : memref<16384xf32, #tpu.memory_space<vmem>>[vector<16xi32>], vector<16xf32>, vector<16xi1>
      } {sc.loop_unroll_factor = 8 : i64, sc.parallel_access}
      %dma_start3A_244 = arith.constant 0 : i32
      %dma_start3A_245 = tpu.memref_slice %arg10[%dma_start3A_244] : memref<16384xf32, #tpu.memory_space<vmem>> -> memref<4096xf32, #tpu.memory_space<vmem>>
      %dma_start3A_246 = arith.constant 0 : i32
      %dma_start3A_247 = tpu.memref_slice %arg4[%scan3A_57, %add3A, %dma_start3A_246] : memref<26x32x16384xf32, #tpu.memory_space<hbm>> -> memref<1x1x4096xf32, #tpu.memory_space<hbm>>
      %dma_start3A_248 = tpu.memref_squeeze %dma_start3A_247 : memref<1x1x4096xf32, #tpu.memory_space<hbm>> -> memref<4096xf32, #tpu.memory_space<hbm>>
      %dma_start3A_249 = arith.constant 0 : i32
      %dma_start3A_250 = tpu.memref_slice %arg4[%scan3A_57, %add3A, %dma_start3A_249] : memref<26x32x16384xf32, #tpu.memory_space<hbm>> -> memref<1x1x4096xf32, #tpu.memory_space<hbm>>
      %dma_start3A_251 = tpu.memref_squeeze %dma_start3A_250 : memref<1x1x4096xf32, #tpu.memory_space<hbm>> -> memref<4096xf32, #tpu.memory_space<hbm>>
      %dma_start3A_252 = arith.constant 0 : i32
      %dma_start3A_253 = tpu.memref_slice %arg10[%dma_start3A_252] : memref<16384xf32, #tpu.memory_space<vmem>> -> memref<4096xf32, #tpu.memory_space<vmem>>
      tpu.enqueue_dma source(%dma_start3A_253 : memref<4096xf32, #tpu.memory_space<vmem>>) target(%dma_start3A_251 : memref<4096xf32, #tpu.memory_space<hbm>>) target_semaphore(%arg18 : memref<!tpu.dma_semaphore, #tpu.memory_space<semaphore_mem>>)
    }
    %scan3A_13 = arith.constant 26 : i32
    %dma_wait3A = arith.constant 0 : i32
    %dma_wait3A_14 = arith.constant 0 : i32
    %dma_wait3A_15 = tpu.memref_slice %arg10[%dma_wait3A_14] : memref<16384xf32, #tpu.memory_space<vmem>> -> memref<4096xf32, #tpu.memory_space<vmem>>
    %dma_wait3A_16 = arith.constant 0 : i32
    %dma_wait3A_17 = tpu.memref_slice %arg4[%dma_wait3A, %add3A, %dma_wait3A_16] : memref<26x32x16384xf32, #tpu.memory_space<hbm>> -> memref<1x1x4096xf32, #tpu.memory_space<hbm>>
    %dma_wait3A_18 = tpu.memref_squeeze %dma_wait3A_17 : memref<1x1x4096xf32, #tpu.memory_space<hbm>> -> memref<4096xf32, #tpu.memory_space<hbm>>
    %dma_wait3A_19 = arith.constant 0 : i32
    %dma_wait3A_20 = tpu.memref_slice %arg4[%dma_wait3A, %add3A, %dma_wait3A_19] : memref<26x32x16384xf32, #tpu.memory_space<hbm>> -> memref<1x1x4096xf32, #tpu.memory_space<hbm>>
    %dma_wait3A_21 = tpu.memref_squeeze %dma_wait3A_20 : memref<1x1x4096xf32, #tpu.memory_space<hbm>> -> memref<4096xf32, #tpu.memory_space<hbm>>
    %dma_wait3A_22 = arith.constant 0 : i32
    %dma_wait3A_23 = tpu.memref_slice %arg10[%dma_wait3A_22] : memref<16384xf32, #tpu.memory_space<vmem>> -> memref<4096xf32, #tpu.memory_space<vmem>>
    tpu.wait_dma2 semaphore(%arg18 : memref<!tpu.dma_semaphore, #tpu.memory_space<semaphore_mem>>) src(%dma_wait3A_23 : memref<4096xf32, #tpu.memory_space<vmem>>) dst(%dma_wait3A_21 : memref<4096xf32, #tpu.memory_space<hbm>>)
    %dma_wait3A_24 = arith.constant 0 : i32
    %dma_wait3A_25 = arith.constant 0 : i32
    %dma_wait3A_26 = tpu.memref_slice %arg10[%dma_wait3A_25] : memref<16384xf32, #tpu.memory_space<vmem>> -> memref<4096xf32, #tpu.memory_space<vmem>>
    %dma_wait3A_27 = arith.constant 0 : i32
    %dma_wait3A_28 = tpu.memref_slice %arg4[%dma_wait3A_24, %add3A, %dma_wait3A_27] : memref<26x32x16384xf32, #tpu.memory_space<hbm>> -> memref<1x1x4096xf32, #tpu.memory_space<hbm>>
    %dma_wait3A_29 = tpu.memref_squeeze %dma_wait3A_28 : memref<1x1x4096xf32, #tpu.memory_space<hbm>> -> memref<4096xf32, #tpu.memory_space<hbm>>
    %dma_wait3A_30 = arith.constant 0 : i32
    %dma_wait3A_31 = tpu.memref_slice %arg4[%dma_wait3A_24, %add3A, %dma_wait3A_30] : memref<26x32x16384xf32, #tpu.memory_space<hbm>> -> memref<1x1x4096xf32, #tpu.memory_space<hbm>>
    %dma_wait3A_32 = tpu.memref_squeeze %dma_wait3A_31 : memref<1x1x4096xf32, #tpu.memory_space<hbm>> -> memref<4096xf32, #tpu.memory_space<hbm>>
    %dma_wait3A_33 = arith.constant 0 : i32
    %dma_wait3A_34 = tpu.memref_slice %arg10[%dma_wait3A_33] : memref<16384xf32, #tpu.memory_space<vmem>> -> memref<4096xf32, #tpu.memory_space<vmem>>
    tpu.wait_dma2 semaphore(%arg19 : memref<!tpu.dma_semaphore, #tpu.memory_space<semaphore_mem>>) src(%dma_wait3A_34 : memref<4096xf32, #tpu.memory_space<vmem>>) dst(%dma_wait3A_32 : memref<4096xf32, #tpu.memory_space<hbm>>)
    %dma_wait3A_35 = arith.constant 0 : i32
    %dma_wait3A_36 = arith.constant 0 : i32
    %dma_wait3A_37 = tpu.memref_slice %arg10[%dma_wait3A_36] : memref<16384xf32, #tpu.memory_space<vmem>> -> memref<4096xf32, #tpu.memory_space<vmem>>
    %dma_wait3A_38 = arith.constant 0 : i32
    %dma_wait3A_39 = tpu.memref_slice %arg4[%dma_wait3A_35, %add3A, %dma_wait3A_38] : memref<26x32x16384xf32, #tpu.memory_space<hbm>> -> memref<1x1x4096xf32, #tpu.memory_space<hbm>>
    %dma_wait3A_40 = tpu.memref_squeeze %dma_wait3A_39 : memref<1x1x4096xf32, #tpu.memory_space<hbm>> -> memref<4096xf32, #tpu.memory_space<hbm>>
    %dma_wait3A_41 = arith.constant 0 : i32
    %dma_wait3A_42 = tpu.memref_slice %arg4[%dma_wait3A_35, %add3A, %dma_wait3A_41] : memref<26x32x16384xf32, #tpu.memory_space<hbm>> -> memref<1x1x4096xf32, #tpu.memory_space<hbm>>
    %dma_wait3A_43 = tpu.memref_squeeze %dma_wait3A_42 : memref<1x1x4096xf32, #tpu.memory_space<hbm>> -> memref<4096xf32, #tpu.memory_space<hbm>>
    %dma_wait3A_44 = arith.constant 0 : i32
    %dma_wait3A_45 = tpu.memref_slice %arg10[%dma_wait3A_44] : memref<16384xf32, #tpu.memory_space<vmem>> -> memref<4096xf32, #tpu.memory_space<vmem>>
    tpu.wait_dma2 semaphore(%arg20 : memref<!tpu.dma_semaphore, #tpu.memory_space<semaphore_mem>>) src(%dma_wait3A_45 : memref<4096xf32, #tpu.memory_space<vmem>>) dst(%dma_wait3A_43 : memref<4096xf32, #tpu.memory_space<hbm>>)
    %dma_wait3A_46 = arith.constant 0 : i32
    %dma_wait3A_47 = arith.constant 0 : i32
    %dma_wait3A_48 = tpu.memref_slice %arg10[%dma_wait3A_47] : memref<16384xf32, #tpu.memory_space<vmem>> -> memref<4096xf32, #tpu.memory_space<vmem>>
    %dma_wait3A_49 = arith.constant 0 : i32
    %dma_wait3A_50 = tpu.memref_slice %arg4[%dma_wait3A_46, %add3A, %dma_wait3A_49] : memref<26x32x16384xf32, #tpu.memory_space<hbm>> -> memref<1x1x4096xf32, #tpu.memory_space<hbm>>
    %dma_wait3A_51 = tpu.memref_squeeze %dma_wait3A_50 : memref<1x1x4096xf32, #tpu.memory_space<hbm>> -> memref<4096xf32, #tpu.memory_space<hbm>>
    %dma_wait3A_52 = arith.constant 0 : i32
    %dma_wait3A_53 = tpu.memref_slice %arg4[%dma_wait3A_46, %add3A, %dma_wait3A_52] : memref<26x32x16384xf32, #tpu.memory_space<hbm>> -> memref<1x1x4096xf32, #tpu.memory_space<hbm>>
    %dma_wait3A_54 = tpu.memref_squeeze %dma_wait3A_53 : memref<1x1x4096xf32, #tpu.memory_space<hbm>> -> memref<4096xf32, #tpu.memory_space<hbm>>
    %dma_wait3A_55 = arith.constant 0 : i32
    %dma_wait3A_56 = tpu.memref_slice %arg10[%dma_wait3A_55] : memref<16384xf32, #tpu.memory_space<vmem>> -> memref<4096xf32, #tpu.memory_space<vmem>>
    tpu.wait_dma2 semaphore(%arg21 : memref<!tpu.dma_semaphore, #tpu.memory_space<semaphore_mem>>) src(%dma_wait3A_56 : memref<4096xf32, #tpu.memory_space<vmem>>) dst(%dma_wait3A_54 : memref<4096xf32, #tpu.memory_space<hbm>>)
    return
  }
}

</mosaic_0001>

<sc_bundles>
// kernel: _sc_embed.3.cloned.1.call-start
scs
__scs_entry_jumppad:
0x0: {  	(pc) =	sbr.rel $0x88, $3  }
0x1: {  	(tag) =	ssettag $0x0;
	lr =	simm.s32 $0x1  }
0x2: {  	[smem:$0x3F9F] =	sst lr;
	_ =	strace $0xD0000000  }
0x3: {  	_ = 	snop  }
0x4: {  	_ = 	snop  }
0x5: {  	_ = 	snop  }
0x6: {  	_ = 	snop  }
0x7: {  	_ = 	snop  }
__scs_overlays_trampoline_lowered:
0x8: {  	[smem:$0x3FAE] =	sst s0  }
0x9: {  	[smem:$0x3FAF] =	sst s1  }
0xa: {  	[smem:$0x3FB0] =	sst s2  }
0xb: {  	[smem:$0x3FB1] =	sst s3  }
0xc: {  	[smem:$0x3FB2] =	sst s4  }
0xd: {  	[smem:$0x3FB3] =	sst s5  }
0xe: {  	[smem:$0x3FB4] =	sst s6  }
0xf: {  	[smem:$0x3FB5] =	sst s7  }
0x10: {  	[smem:$0x3FB6] =	sst s8  }
0x11: {  	[smem:$0x3FB7] =	sst s9;
	s0 =	simm.s32 @!p0 $0x0  }
0x12: {  	s1 =	sld [smem:$0x3F9D];
	s0 =	simm.s32 @p0 $0x1  }
0x13: {  	[smem:$0x3FB8] =	sst s0;
	s0 =	simm.s32 @!p1 $0x0  }
0x14: {  	s2 =	sld [smem:$0x3F9C];
	s0 =	simm.s32 @p1 $0x1  }
0x15: {  	[smem:$0x3FB9] =	sst s0;
	s0 =	simm.s32 @!p2 $0x0  }
0x16: {  	s3 =	sld [smem:$0x3FDB];
	s0 =	simm.s32 @p2 $0x1  }
0x17: {  	s4 =	simm.s32 $0x1BF5;
	[smem:$0x3FBB] =	sst s0  }
0x18: {  	s0 =	sld [smem:$0x3F9E];
	_ =	swait.ge [sflag:s4], $0x0  }
0x19: {  	s7 =	sld [smem:$0x3F9F]  }
0x1a: {  	s8 =	sadd.s32 $0xFFFFE003, lr  }
0x1b: {  	s9 =	sadd.s32 $0xFFFFFEF7, lr;
	s5 =	simm.s32 $0xFFFFFFFF;
	p2 =	slt.u32 s8, $0xFFFFF086  }
0x1c: {  	p1 =	slt.u32 s9, $0xF7A;
	s5 =	simm.s32 @!p2 $0x0  }
0x1d: {  	s5 =	simm.s32 @p1 $0x1;
	p0 =	seq.s32 s7, s2  }
0x1e: {  	s7 =	smul.u32 @!p0 $0xF7A, s2;
	p2 =	seq.s32 @!p0 s5, $0x0  }
0x1f: {  	s9 =	smul.u32 $0xF7A, s1;
	s8 =	simm.s32 @!p0 $0x1BF5;
	p2 =	por !p2, p0  }
0x20: {  	[sflag:s8] =	ssyncset.s32 @!p0 $0xFFFFF086;
	s6 =	sadd.s32 @!p0 s3, s7;
	s7 =	simm.s32 @!p0 $0x108  }
0x21: {  	s3 =	sadd.s32 s3, s9;
	s6 =	sadd.s32 @!p0 $0x88, s6;
	s7 =	simm.s32 @p2 $0x1082  }
0x22: {  	[simem:s7], [sflag:s8] =	dma.local @!p0 [hbm:s6], $0xF7A  }
0x23: {  	s9 =	sor.u32 $0xD0000000, s2;
	s6 =	simm.s32 $0x108;
	_ =	swait.ge @!p0 [sflag:s8], $0x0  }
0x24: {  	s3 =	sadd.s32 $0x88, s3;
	s6 =	simm.s32 @!p1 $0x1082;
	[sflag:s4] =	ssyncset.s32 $0xFFFFF086  }
0x25: {  	[simem:s6], [sflag:s4] =	dma.local [hbm:s3], $0xF7A  }
0x26: {  	[smem:$0x3F9F] =	sst s1;
	(tag) =	ssettag s2;
	_ =	strace s9  }
0x27: {  	s1 =	sld [smem:$0x3FAF]  }
0x28: {  	s2 =	sld [smem:$0x3FB0]  }
0x29: {  	s4 =	sld [smem:$0x3FB2]  }
0x2a: {  	p0 =	seq.s32 s5, $0x0;
	s5 =	sld [smem:$0x3FB3]  }
0x2b: {  	s6 =	sld [smem:$0x3FB4]  }
0x2c: {  	s7 =	sld [smem:$0x3FB5]  }
0x2d: {  	s3 =	simm.s32 $0x108;
	s8 =	sld [smem:$0x3FB6]  }
0x2e: {  	s3 =	simm.s32 @!p0 $0x1082;
	s9 =	sld [smem:$0x3FB7]  }
0x2f: {  	lr =	sadd.s32 s0, s3;
	s0 =	sld [smem:$0x3FAE]  }
0x30: {  	s3 =	sld [smem:$0x3FB1]  }
0x31: {  	[smem:$0x3FBA] =	sst s10  }
0x32: {  	s10 =	sld [smem:$0x3FB8];
	_ =	sdelay $0x3  }
0x33: {  	p0 =	seq.s32 s10, $0x1;
	s10 =	sld [smem:$0x3FBA];
	_ =	sdelay $0x3  }
0x34: {  	[smem:$0x3FBA] =	sst s10  }
0x35: {  	s10 =	sld [smem:$0x3FB9];
	_ =	sdelay $0x3  }
0x36: {  	p1 =	seq.s32 s10, $0x1;
	s10 =	sld [smem:$0x3FBA];
	_ =	sdelay $0x3  }
0x37: {  	[smem:$0x3FBA] =	sst s10  }
0x38: {  	s10 =	sld [smem:$0x3FBB]  }
0x39: {  	_ = 	snop;
	(pc) =	sbr.ind lr, $3  }
0x3a: {  	_ = 	snop  }
0x3b: {  	_ = 	snop  }
0x3c: {  	p2 =	seq.s32 s10, $0x1;
	s10 =	sld [smem:$0x3FBA]  }
0x3d: {  	_ =	shalt  }
0x3e: {  	_ =	shalt  }
0x3f: {  	_ =	shalt  }
0x40: {  	_ =	shalt  }
0x41: {  	_ =	shalt  }
0x42: {  	_ =	shalt  }
0x43: {  	_ =	shalt  }
0x44: {  	_ =	shalt  }
0x45: {  	_ =	shalt  }
0x46: {  	_ =	shalt  }
0x47: {  	_ =	shalt  }
0x48: {  	_ =	shalt  }
0x49: {  	_ =	shalt  }
0x4a: {  	_ =	shalt  }
0x4b: {  	_ =	shalt  }
0x4c: {  	_ =	shalt  }
0x4d: {  	_ =	shalt  }
0x4e: {  	_ =	shalt  }
0x4f: {  	_ =	shalt  }
0x50: {  	_ =	shalt  }
0x51: {  	_ =	shalt  }
0x52: {  	_ =	shalt  }
0x53: {  	_ =	shalt  }
0x54: {  	_ =	shalt  }
0x55: {  	_ =	shalt  }
0x56: {  	_ =	shalt  }
0x57: {  	_ =	shalt  }
0x58: {  	_ =	shalt  }
0x59: {  	_ =	shalt  }
0x5a: {  	_ =	shalt  }
0x5b: {  	_ =	shalt  }
0x5c: {  	_ =	shalt  }
0x5d: {  	_ =	shalt  }
0x5e: {  	_ =	shalt  }
0x5f: {  	_ =	shalt  }
0x60: {  	_ =	shalt  }
0x61: {  	_ =	shalt  }
0x62: {  	_ =	shalt  }
0x63: {  	_ =	shalt  }
0x64: {  	_ =	shalt  }
0x65: {  	_ =	shalt  }
0x66: {  	_ =	shalt  }
0x67: {  	_ =	shalt  }
0x68: {  	_ =	shalt  }
0x69: {  	_ =	shalt  }
0x6a: {  	_ =	shalt  }
0x6b: {  	_ =	shalt  }
0x6c: {  	_ =	shalt  }
0x6d: {  	_ =	shalt  }
0x6e: {  	_ =	shalt  }
0x6f: {  	_ =	shalt  }
0x70: {  	_ =	shalt  }
0x71: {  	_ =	shalt  }
0x72: {  	_ =	shalt  }
0x73: {  	_ =	shalt  }
0x74: {  	_ =	shalt  }
0x75: {  	_ =	shalt  }
0x76: {  	_ =	shalt  }
0x77: {  	_ =	shalt  }
0x78: {  	_ =	shalt  }
0x79: {  	_ =	shalt  }
0x7a: {  	_ =	shalt  }
0x7b: {  	_ =	shalt  }
0x7c: {  	_ =	shalt  }
0x7d: {  	_ =	shalt  }
0x7e: {  	_ =	shalt  }
0x7f: {  	_ =	shalt  }
0x80: {  	_ =	shalt  }
0x81: {  	_ =	shalt  }
0x82: {  	_ =	shalt  }
0x83: {  	_ =	shalt  }
0x84: {  	_ =	shalt  }
0x85: {  	_ =	shalt  }
0x86: {  	_ =	shalt  }
0x87: {  	_ =	shalt  }
.Lfunc_end0:
.L_simem_size_0:
called_computation_lowered:
.L_overlay_start_0:
0x88: {  	s2 =	sld [smem:$0x3FD9]  }
0x89: {  	s3 =	sld [smem:$0x3FFE];
	_ =	sdelay $0x1  }
0x8a: {  	s1 =	srdreg.scid  }
0x8b: {  	s0 =	sand.u32 $0x1, s1  }
0x8c: {  	s18 =	sshll.u32 s0, $0xA;
	s2 =	sadd.s32 s3, s2  }
0x8d: {  	s2 =	sadd.s32 s2, s18  }
0x8e: {  	[smem:$0x3FC6] =	sst s2  }
0x8f: {  	_ = 	snop  }
0x90: {  	s2 =	sld [smem:$0x3FC9]  }
0x91: {  	s19 =	sld [smem:$0x3FC8]  }
0x92: {  	s4 =	sld [smem:$0x3FD0];
	(tm) =	ssettm $0x1  }
0x93: {  	s5 =	sld [smem:$0x3FFB];
	_ =	sdelay $0x3  }
0x94: {  	_ =	strace s5  }
0x95: {  	s5 =	sld [smem:$0x3FFC];
	_ =	sdelay $0x3  }
0x96: {  	_ =	strace s5  }
0x97: {  	s5 =	sld [smem:$0x3FFD];
	_ =	sdelay $0x3  }
0x98: {  	_ =	strace s5  }
0x99: {  	_ =	strace $0x8FFFFFFF  }
0x9a: {  	s20 =	sld [smem:$0x3FDB];
	_ =	sdelay $0x1  }
0x9b: {  	s6 =	simm.s32 $_scs_section_size  }
0x9c: {  	s7 =	simm.s32 $_size__tile_overlayer_lowered;
	s8 =	simm.s32 $_tile_overlayer_lowered  }
0x9d: {  	s23 =	simm.s32 $0x1BFF;
	s22 =	sshll.u32 s8, $0x1;
	s5 =	sadd.s32 s6, s20  }
0x9e: {  	s9 =	simm.s32 $0x0;
	s21 =	sshll.u32 s7, $0x1;
	s7 =	sadd.s32 s22, s5  }
0x9f: {  	[timem:s9], [sflag:s23] =	dma.local [hbm:s7], s21  }
0xa0: {  	_ =	swait.ge [sflag:s23], s21  }
0xa1: {  	s6 =	ssub.s32 $0x0, s21;
	[sflag:s23] =	ssyncset.done $0x0  }
0xa2: {  	[sflag:s23] =	ssyncadd.s32 s6;
	_ =	sdelay $0x1  }
0xa3: {  	s24 =	simm.s32 $0x1B8B  }
0xa4: {  	_ =	swait.ge [sflag:s24], $0x1  }
0xa5: {  	[sflag:s24] =	ssyncset.done $0x0  }
0xa6: {  	s25 =	simm.s32 $0x1B8E;
	[sflag:s24] =	ssyncadd.s32 $0xFFFFFFFF  }
0xa7: {  	s26 =	simm.s32 $execute0_lowered;
	[smem:$0x3FD2] =	sst s25  }
0xa8: {  	s6 =	sshll.u32 s26, $0x1;
	_ =	strace $0x80000046;
	[dreg:$0x1] =	wrdreg $0xFFFFFFFF  }
0xa9: {  	s28 =	simm.s32 $_size_execute0_lowered;
	s5 =	sadd.s32 s5, s6;
	[dreg:$0x0] =	wrdreg $0x0  }
0xaa: {  	s6 =	sshll.u32 s28, $0x1;
	[dreg:$0x2] =	wrdreg s5  }
0xab: {  	[dreg:$0x3] =	wrdreg s6  }
0xac: {  	[dreg:$0x4] =	wrdreg $0xC0  }
0xad: {  	_ =	task [dreg:s9], $0x5FFFF  }
0xae: {  	[dreg:$0x1] =	wrdreg $0xFFFFFFFF  }
0xaf: {  	[dreg:$0x0] =	wrdreg $0x60  }
0xb0: {  	[dreg:$0x2] =	wrdreg s2  }
0xb1: {  	[dreg:$0x3] =	wrdreg s19  }
0xb2: {  	[dreg:$0x4] =	wrdreg s4  }
0xb3: {  	[dreg:$0x5] =	wrdreg $0x1F7000  }
0xb4: {  	[dreg:$0x6] =	wrdreg $0x9  }
0xb5: {  	_ =	task.clear_ibuf [dreg:s9], $0x7FFFF;
	_ =	strace $0x90000046  }
0xb6: {  	s29 =	simm.s32 $0x9;
	_ =	strace $0x80000048  }
0xb7: {  	_ =	swait.ge [sflag:s29], $0x1  }
0xb8: {  	[sflag:s29] =	ssyncadd.s32 $0xFFFFFFFF  }
0xb9: {  	_ =	strace $0x90000048  }
0xba: {  	_ =	sfence  }
0xbb: {  	s30 =	sld [smem:$0x0];
	_ =	sdelay $0x2  }
0xbc: {  	s31 =	sshll.u32 s1, $0xD;
	s1 =	sshrl.u32 s1, $0x2  }
0xbd: {  	s3 =	sand.u32 $0x4000, s31;
	s1 =	sadd.s32 s1, s30  }
0xbe: {  	s0 =	sor.u32 s3, s0;
	s1 =	sshll.u32 s1, $0x11  }
0xbf: {  	s0 =	sor.u32 s1, s0  }
0xc0: {  	s0 =	sadd.s32 $0x8F2B, s0  }
0xc1: {  	[sflag:s0] =	ssyncadd.remote.s32 $0x1  }
0xc2: {  	_ =	sfence.sel $0xFFFF  }
0xc3: {  	[dreg:$0x0] =	wrdreg $0xFFFFFFFF;
	(pc) =	sbr.abs _section_cstart, $3  }
0xc4: {  	[dreg:$0x1] =	wrdreg $0xFFFFFFFF  }
0xc5: {  	_ =	task.clear_ibuf [dreg:s9], $0x2FFFF;
	_ =	strace $0x9FFFFFFF  }
0xc6: {  	(tm) =	ssettm $0x7FFFFFFF  }
0xc7: {  	_ =	shalt  }
tec
execute0_lowered:
.L_overlay_start_1:
0x0: {  	(tag) =	ssettag $0x1  }
0x1: {  	s0 =	rddreg [dreg:$0x0]  }
0x2: {  	s13 =	rddreg [dreg:$0x2]  }
0x3: {  	s3 =	rddreg [dreg:$0x3]  }
0x4: {  	s1 =	srdreg.scid;
	s2 =	stileid.u32  }
0x5: {  	s16 =	simm.s32 $0x80;
	s17 =	simm.s32 $0x400;
	s18 =	simm.s32 $0x1  }
0x6: {  	s19 =	simm.s32 $0xA580;
	s20 =	simm.s32 $0x100;
	s21 =	simm.s32 $0x18700  }
0x7: {  	s22 =	simm.s32 $0x19700;
	s24 =	simm.s32 $0x4;
	s25 =	simm.s32 $0x5  }
0x8: {  	s26 =	simm.s32 $0x6;
	s28 =	simm.s32 $0x2;
	s29 =	simm.s32 $0x1B700  }
0x9: {  	s1 =	sand.u32 $0x1, s1;
	s4 =	sshrl.u32 s2, $0x2;
	s5 =	sshll.u32 s2, $0x8  }
0xa: {  	s11 =	sadd.s32 $0x3000, s13;
	s12 =	sadd.s32 $0x1000, s13;
	s13 =	sadd.s32 $0x2000, s13  }
0xb: {  	p0 =	sne.s32 s2, $0x0;
	p1 =	seq.s32 s2, $0x0;
	s7 =	smul.u32 $0xC3800, s4  }
0xc: {  	s6 =	sshll.u32 s1, $0x7;
	s5 =	sand.u32 $0x300, s5;
	s1 =	ssub.s32 $0x2, s1  }
0xd: {  	s10 =	sshll.u32 s4, $0x11;
	s5 =	sor.u32 s6, s5;
	s8 =	sshrl.u32 s1, $0x1  }
0xe: {  	s6 =	simm.s32 $0x0;
	s7 =	sor.u32 s7, s5;
	s1 =	ssub.s32 s1, s8  }
0xf: {  	v1 =	vimm.s32 $0x0;
	vm0 =	vcmask $0x300;
	v0 =	vlaneseq.u32;
	[smem:$0x7FF] =	sst s6;
	s9 =	sshrl.u32 s7, $0x3;
	s1 =	smax.u32 s1, $0x1  }
0x10: {  	v1 =	vsel vm0, $0x7, v1;
	v2 =	vor.u32 $0x10, v0;
	_ =	strace $0x80000047;
	s31 =	sadd.s32 s0, s9;
	[dreg:$0x6] =	wrdreg s1  }
0x11: {  	v3 =	vor.u32 $0x20, v0;
	v4 =	vor.u32 $0x30, v0;
	v5 =	vor.u32 $0x40, v0;
	s4 =	simm.s32 $0x1D700;
	s1 =	sshrl.u32 @!p0 s3, $0x3;
	[dreg:$0x5] =	wrdreg s31  }
0x12: {  	v6 =	vor.u32 $0x50, v0;
	v7 =	vor.u32 $0x60, v0;
	v8 =	vor.u32 $0x70, v0;
	s8 =	simm.s32 $0x0;
	s9 =	sadd.s32 $0x52C00, s7;
	[dreg:$0x7] =	wrdreg s1  }
.LBB2_1:
0x13: {  	[dreg:$0x8] =	wrdreg s8  }
0x14: {  	s1 =	simm.s32 @!p0 $0x1;
	s2 =	simm.s32 @!p0 $0x20;
	s15 =	rddreg [dreg:$0x1]  }
0x15: {  	s8 =	simm.s32 @!p0 $0x80;
	s14 =	simm.s32 @!p0 $0x1C03;
	s23 =	rddreg [dreg:$0x7]  }
0x16: {  	[spmem:s23@s2], [sflag:s14] =	dma.strided @!p0 [hbm:s15@s8], $0x800, s1, $0x10   }
0x17: {  	s14 =	simm.s32 $0x0;
	s1 =	rddreg [dreg:$0x5]  }
0x18: {  	[tilespmem:s6], [sflag:$0x1] =	stream.strided.gather [hbm4b:s1+s16], $0xA580, s17, s16, $0x38;
	[tilespmem:$0x1FF00] =	vst v63  }
.LBB2_2:
0x19: {  	s1 =	simm.s32 @p1 $0x3  }
0x1a: {  	p4 =	seq.s32 @p1 s14, $0x19;
	_ =	swait.ge @p1 [sflag:s1], $0x800  }
0x1b: {  	p2 =	por p4, !p1;
	[sflag:s1] =	ssyncset.done @p1 $0x0  }
0x1c: {  	s2 =	sadd.s32 @!p2 $0x1, s14;
	s30 =	simm.s32 @!p2 $0x80;
	s31 =	simm.s32 @!p2 $0x1C03  }
0x1d: {  	[sflag:s1] =	ssyncadd.s32 @p1 $0xFFFFF800;
	s1 =	sshll.u32 @!p2 s2, $0x4;
	s8 =	sshll.u32 @!p2 s2, $0x7  }
0x1e: {  	s15 =	sshll.u32 @!p2 s2, $0xB;
	[bflag:$0x0] =	sbarrier.arrive @p1 $0xFFFF;
	s8 =	sand.u32 @!p2 $0x80, s8  }
0x1f: {  	s1 =	sand.u32 @!p2 $0x70, s1;
	s8 =	sadd.s32 @!p2 s8, s3;
	s23 =	rddreg [dreg:$0x1]  }
0x20: {  	s15 =	sand.u32 @!p2 $0x1C000, s15;
	s1 =	sadd.s32 @!p2 s23, s1;
	s8 =	sshrl.u32 @!p2 s8, $0x3  }
0x21: {  	s23 =	simm.s32 @!p2 $0x20;
	s1 =	sadd.s32 @!p2 s15, s1;
	s15 =	simm.s32 @!p2 $0x1  }
0x22: {  	[spmem:s8@s23], [sflag:s31] =	dma.strided @!p2 [hbm:s1@s30], $0x800, s15, $0x10   }
0x23: {  	s8 =	smul.u32 $0x30E000, s14  }
0x24: {  	[bflag:$0x0] =	sbarrier.arrive @!p1 $0xFFFF  }
0x25: {  	_ =	swait.ge [sflag:s18], $0xA580;
	s1 =	sadd.s32 s8, s9  }
0x26: {  	[sflag:s18] =	ssyncset.done $0x0;
	s1 =	sshrl.u32 s1, $0x3  }
0x27: {  	s15 =	sshll.u32 s14, $0x7;
	[sflag:s18] =	ssyncadd.s32 $0xFFFF5A80;
	s1 =	sadd.s32 s0, s1  }
0x28: {  	[tilespmem:s19], [sflag:$0x2] =	stream.strided.gather [hbm4b:s1+s16], $0xE180, s17, s16, $0x38;
	[tilespmem:$0x1FF00] =	vst v63  }
0x29: {  	s1 =	sand.u32 $0x80, s15  }
0x2a: {  	s8 =	sadd.s32 s1, s3  }
0x2b: {  	[tilespmem:s21], [sflag:$0x4] =	stream.strided.gather [spmem:s8], $0x1000, s20, s16, $0x38;
	[tilespmem:$0x1FF00] =	vst v63  }
0x2c: {  	s1 =	sadd.s32 $0x2000, s8  }
0x2d: {  	[tilespmem:s22], [sflag:$0x5] =	stream.strided.gather [spmem:s1], $0x1000, s20, s16, $0x38;
	[tilespmem:$0x1FF00] =	vst v63  }
0x2e: {  	s30 =	simm.s32 $0x1A700;
	s23 =	sadd.s32 $0x4000, s8  }
0x2f: {  	[tilespmem:s30], [sflag:$0x6] =	stream.strided.gather [spmem:s23], $0x1000, s20, s16, $0x38;
	[tilespmem:$0x1FF00] =	vst v63  }
0x30: {  	_ =	swait.ge [sflag:s24], $0x1000  }
0x31: {  	p3 =	seq.s32 s14, $0x0;
	[sflag:s24] =	ssyncset.done $0x0  }
0x32: {  	s1 =	simm.s32 @!p3 $0x7;
	[sflag:s24] =	ssyncadd.s32 $0xFFFFF000  }
0x33: {  	_ =	swait.ge @!p3 [sflag:s1], $0x1000  }
0x34: {  	[sflag:s1] =	ssyncset.done @!p3 $0x0  }
0x35: {  	s31 =	simm.s32 $0x18740;
	[sflag:s1] =	ssyncadd.s32 @!p3 $0xFFFFF000  }
0x36: {  	v9 =	vld [tilespmem:s31+$0x30]  }
0x37: {  	v10 =	vld [tilespmem:s31+$0xFFFFFFD0]  }
0x38: {  	v11 =	vld [tilespmem:s31+$0xFFFFFFE0]  }
0x39: {  	v12 =	vld [tilespmem:s31+$0xFFFFFFF0]  }
0x3a: {  	v13 =	vld [tilespmem:s31+$0x0]  }
0x3b: {  	v14 =	vld [tilespmem:s31+$0x10]  }
0x3c: {  	v15 =	vld [tilespmem:s31+$0x20]  }
0x3d: {  	v16 =	vld [tilespmem:s31+$0xFFFFFFC0]  }
0x3e: {  	v17 =	vld.idx.msk [tilespmem:v9+s6+$0x0], $0xffff  }
0x3f: {  	v18 =	vld.idx.msk [tilespmem:v10+s6+$0x0], $0xffff  }
0x40: {  	v10 =	vld.idx.msk [tilespmem:v11+s6+$0x0], $0xffff  }
0x41: {  	v9 =	vld.idx.msk [tilespmem:v12+s6+$0x0], $0xffff  }
0x42: {  	p5 =	por @p1 $0x0, $0x0;
	p4 =	por !p4, !p1;
	p2 =	por @!p2 $0x1, $0x1;
	v11 =	vld.idx.msk [tilespmem:v13+s6+$0x0], $0xffff  }
0x43: {  	p2 =	por @!p4 p5, p5;
	p5 =	sne.s32 @!p1 s14, $0x19;
	s23 =	simm.s32 $0x1B740;
	v12 =	vld.idx.msk [tilespmem:v14+s6+$0x0], $0xffff  }
0x44: {  	s2 =	simm.s32 @!p4 $0x1A;
	p2 =	por @!p1 p5, p5;
	s15 =	sadd.s32 @!p1 $0x1, s14;
	v13 =	vld.idx.msk [tilespmem:v15+s6+$0x0], $0xffff;
	[tilespmem:s23+$0x30] =	vst v17  }
0x45: {  	s15 =	smov.u32 @p1 s2;
	s2 =	simm.s32 $0x0;
	s1 =	simm.s32 $0x187C0;
	v14 =	vld.idx.msk [tilespmem:v16+s6+$0x0], $0xffff;
	[tilespmem:s23+$0xFFFFFFD0] =	vst v18  }
.LBB2_3:
0x46: {  	v15 =	vld [tilespmem:s1+$0x30];
	s2 =	sadd.s32 $0x80, s2;
	[tilespmem:s23+$0xFFFFFFE0] =	vst v10  }
0x47: {  	v10 =	vld [tilespmem:s1+$0xFFFFFFD0];
	p4 =	slt.u32 s2, $0xF80;
	[tilespmem:s23+$0xFFFFFFF0] =	vst v9  }
0x48: {  	v9 =	vld [tilespmem:s1+$0xFFFFFFE0];
	[tilespmem:s23+$0x0] =	vst v11  }
0x49: {  	v11 =	vld [tilespmem:s1+$0xFFFFFFF0];
	[tilespmem:s23+$0x10] =	vst v12  }
0x4a: {  	v12 =	vld [tilespmem:s1+$0x0];
	[tilespmem:s23+$0x20] =	vst v13  }
0x4b: {  	v13 =	vld [tilespmem:s1+$0x10];
	[tilespmem:s23+$0xFFFFFFC0] =	vst v14  }
0x4c: {  	v14 =	vld [tilespmem:s1+$0x20]  }
0x4d: {  	v16 =	vld [tilespmem:s1+$0xFFFFFFC0]  }
0x4e: {  	v15 =	vld.idx.msk [tilespmem:v15+s6+$0x0], $0xffff  }
0x4f: {  	v17 =	vld.idx.msk [tilespmem:v10+s6+$0x0], $0xffff  }
0x50: {  	v10 =	vld.idx.msk [tilespmem:v9+s6+$0x0], $0xffff  }
.Ltmp0:
0x51: {  	v9 =	vld.idx.msk [tilespmem:v11+s6+$0x0], $0xffff;
	(pc) =	sbr.rel @p4 .LBB2_3-.Ltmp0, $4  }
0x52: {  	v11 =	vld.idx.msk [tilespmem:v12+s6+$0x0], $0xffff  }
0x53: {  	s23 =	sadd.s32 $0x80, s23;
	v12 =	vld.idx.msk [tilespmem:v13+s6+$0x0], $0xffff  }
0x54: {  	v13 =	vld.idx.msk [tilespmem:v14+s6+$0x0], $0xffff;
	[tilespmem:s23+$0x30] =	vst v15  }
0x55: {  	s1 =	sadd.s32 $0x80, s1;
	v14 =	vld.idx.msk [tilespmem:v16+s6+$0x0], $0xffff;
	[tilespmem:s23+$0xFFFFFFD0] =	vst v17  }
0x56: {  	[tilespmem:s23+$0xFFFFFFE0] =	vst v10  }
0x57: {  	[tilespmem:s23+$0xFFFFFFF0] =	vst v9  }
0x58: {  	[tilespmem:s23+$0x0] =	vst v11  }
0x59: {  	[tilespmem:s23+$0x10] =	vst v12  }
0x5a: {  	[tilespmem:s23+$0x20] =	vst v13  }
0x5b: {  	s1 =	sadd.s32 $0x6000, s8;
	[tilespmem:s23+$0xFFFFFFC0] =	vst v14  }
0x5c: {  	[tilespmem:s21], [sflag:$0x4] =	stream.strided.gather [spmem:s1], $0x1000, s20, s16, $0x38;
	[tilespmem:$0x1FF00] =	vst v63  }
0x5d: {  	_ =	swait.ge [sflag:s25], $0x1000  }
0x5e: {  	[sflag:s25] =	ssyncset.done $0x0  }
0x5f: {  	s1 =	simm.s32 @!p3 $0x8;
	[sflag:s25] =	ssyncadd.s32 $0xFFFFF000  }
0x60: {  	_ =	swait.ge @!p3 [sflag:s1], $0x1000  }
0x61: {  	[sflag:s1] =	ssyncset.done @!p3 $0x0  }
0x62: {  	s31 =	simm.s32 $0x19740;
	[sflag:s1] =	ssyncadd.s32 @!p3 $0xFFFFF000  }
0x63: {  	v9 =	vld [tilespmem:s31+$0x30]  }
0x64: {  	v10 =	vld [tilespmem:s31+$0xFFFFFFD0]  }
0x65: {  	v11 =	vld [tilespmem:s31+$0xFFFFFFE0]  }
0x66: {  	v12 =	vld [tilespmem:s31+$0xFFFFFFF0]  }
0x67: {  	v13 =	vld [tilespmem:s31+$0x0]  }
0x68: {  	v15 =	vld [tilespmem:s31+$0x10]  }
0x69: {  	v16 =	vld [tilespmem:s31+$0x20]  }
0x6a: {  	v17 =	vld [tilespmem:s31+$0xFFFFFFC0]  }
0x6b: {  	v18 =	vld.idx.msk [tilespmem:v9+s6+$0x0], $0xffff  }
0x6c: {  	v19 =	vld.idx.msk [tilespmem:v10+s6+$0x0], $0xffff  }
0x6d: {  	v14 =	vld.idx.msk [tilespmem:v11+s6+$0x0], $0xffff  }
0x6e: {  	v12 =	vld.idx.msk [tilespmem:v12+s6+$0x0], $0xffff  }
0x6f: {  	v9 =	vld.idx.msk [tilespmem:v13+s6+$0x0], $0xffff  }
0x70: {  	s2 =	simm.s32 $0x1C770;
	v10 =	vld.idx.msk [tilespmem:v15+s6+$0x0], $0xffff  }
0x71: {  	v11 =	vld.idx.msk [tilespmem:v16+s6+$0x0], $0xffff;
	[tilespmem:s2+$0x0] =	vst v18  }
0x72: {  	s23 =	simm.s32 $0x0;
	s1 =	simm.s32 $0x197C0;
	v13 =	vld.idx.msk [tilespmem:v17+s6+$0x0], $0xffff;
	[tilespmem:s2+$0xFFFFFFA0] =	vst v19  }
.LBB2_5:
0x73: {  	v15 =	vld [tilespmem:s1+$0x30];
	s23 =	sadd.s32 $0x80, s23;
	[tilespmem:s2+$0xFFFFFFB0] =	vst v14  }
0x74: {  	v14 =	vld [tilespmem:s1+$0xFFFFFFD0];
	p4 =	slt.u32 s23, $0xF80;
	[tilespmem:s2+$0xFFFFFFC0] =	vst v12  }
0x75: {  	v12 =	vld [tilespmem:s1+$0xFFFFFFE0];
	[tilespmem:s2+$0xFFFFFFD0] =	vst v9  }
0x76: {  	v9 =	vld [tilespmem:s1+$0xFFFFFFF0];
	[tilespmem:s2+$0xFFFFFFE0] =	vst v10  }
0x77: {  	v10 =	vld [tilespmem:s1+$0x0];
	[tilespmem:s2+$0xFFFFFFF0] =	vst v11  }
0x78: {  	v11 =	vld [tilespmem:s1+$0x10];
	[tilespmem:s2+$0xFFFFFF90] =	vst v13  }
0x79: {  	v13 =	vld [tilespmem:s1+$0x20]  }
0x7a: {  	v16 =	vld [tilespmem:s1+$0xFFFFFFC0]  }
0x7b: {  	v15 =	vld.idx.msk [tilespmem:v15+s6+$0x0], $0xffff  }
0x7c: {  	v17 =	vld.idx.msk [tilespmem:v14+s6+$0x0], $0xffff  }
0x7d: {  	v14 =	vld.idx.msk [tilespmem:v12+s6+$0x0], $0xffff  }
.Ltmp1:
0x7e: {  	v12 =	vld.idx.msk [tilespmem:v9+s6+$0x0], $0xffff;
	(pc) =	sbr.rel @p4 .LBB2_5-.Ltmp1, $4  }
0x7f: {  	v9 =	vld.idx.msk [tilespmem:v10+s6+$0x0], $0xffff  }
0x80: {  	s2 =	sadd.s32 $0x80, s2;
	v10 =	vld.idx.msk [tilespmem:v11+s6+$0x0], $0xffff  }
0x81: {  	v11 =	vld.idx.msk [tilespmem:v13+s6+$0x0], $0xffff;
	[tilespmem:s2+$0x0] =	vst v15  }
0x82: {  	s1 =	sadd.s32 $0x80, s1;
	v13 =	vld.idx.msk [tilespmem:v16+s6+$0x0], $0xffff;
	[tilespmem:s2+$0xFFFFFFA0] =	vst v17  }
0x83: {  	[tilespmem:s2+$0xFFFFFFB0] =	vst v14  }
0x84: {  	[tilespmem:s2+$0xFFFFFFC0] =	vst v12  }
0x85: {  	[tilespmem:s2+$0xFFFFFFD0] =	vst v9  }
0x86: {  	[tilespmem:s2+$0xFFFFFFE0] =	vst v10  }
0x87: {  	[tilespmem:s2+$0xFFFFFFF0] =	vst v11  }
0x88: {  	[tilespmem:s2+$0xFFFFFF90] =	vst v13  }
0x89: {  	_ =	swait.ge [sflag:s26], $0x1000  }
0x8a: {  	[sflag:s26] =	ssyncset.done $0x0  }
0x8b: {  	s1 =	simm.s32 @!p3 $0x9;
	[sflag:s26] =	ssyncadd.s32 $0xFFFFF000  }
0x8c: {  	_ =	swait.ge @!p3 [sflag:s1], $0x1000  }
0x8d: {  	[sflag:s1] =	ssyncset.done @!p3 $0x0  }
0x8e: {  	s31 =	simm.s32 $0x1A740;
	[sflag:s1] =	ssyncadd.s32 @!p3 $0xFFFFF000  }
0x8f: {  	v9 =	vld [tilespmem:s31+$0x30]  }
0x90: {  	v10 =	vld [tilespmem:s31+$0xFFFFFFD0]  }
0x91: {  	v11 =	vld [tilespmem:s31+$0xFFFFFFE0]  }
0x92: {  	v12 =	vld [tilespmem:s31+$0xFFFFFFF0]  }
0x93: {  	v13 =	vld [tilespmem:s31+$0x0]  }
0x94: {  	v15 =	vld [tilespmem:s31+$0x10]  }
0x95: {  	v16 =	vld [tilespmem:s31+$0x20]  }
0x96: {  	v17 =	vld [tilespmem:s31+$0xFFFFFFC0]  }
0x97: {  	v18 =	vld.idx.msk [tilespmem:v9+s6+$0x0], $0xffff  }
0x98: {  	v19 =	vld.idx.msk [tilespmem:v10+s6+$0x0], $0xffff  }
0x99: {  	v14 =	vld.idx.msk [tilespmem:v11+s6+$0x0], $0xffff  }
0x9a: {  	v12 =	vld.idx.msk [tilespmem:v12+s6+$0x0], $0xffff  }
0x9b: {  	v9 =	vld.idx.msk [tilespmem:v13+s6+$0x0], $0xffff  }
0x9c: {  	s2 =	simm.s32 $0x1D770;
	v10 =	vld.idx.msk [tilespmem:v15+s6+$0x0], $0xffff  }
0x9d: {  	v11 =	vld.idx.msk [tilespmem:v16+s6+$0x0], $0xffff;
	[tilespmem:s2+$0x0] =	vst v18  }
0x9e: {  	s23 =	simm.s32 $0x0;
	s1 =	simm.s32 $0x1A7C0;
	v13 =	vld.idx.msk [tilespmem:v17+s6+$0x0], $0xffff;
	[tilespmem:s2+$0xFFFFFFA0] =	vst v19  }
.LBB2_7:
0x9f: {  	v15 =	vld [tilespmem:s1+$0x30];
	s23 =	sadd.s32 $0x80, s23;
	[tilespmem:s2+$0xFFFFFFB0] =	vst v14  }
0xa0: {  	v14 =	vld [tilespmem:s1+$0xFFFFFFD0];
	p4 =	slt.u32 s23, $0xF80;
	[tilespmem:s2+$0xFFFFFFC0] =	vst v12  }
0xa1: {  	v12 =	vld [tilespmem:s1+$0xFFFFFFE0];
	[tilespmem:s2+$0xFFFFFFD0] =	vst v9  }
0xa2: {  	v9 =	vld [tilespmem:s1+$0xFFFFFFF0];
	[tilespmem:s2+$0xFFFFFFE0] =	vst v10  }
0xa3: {  	v10 =	vld [tilespmem:s1+$0x0];
	[tilespmem:s2+$0xFFFFFFF0] =	vst v11  }
0xa4: {  	v11 =	vld [tilespmem:s1+$0x10];
	[tilespmem:s2+$0xFFFFFF90] =	vst v13  }
0xa5: {  	v13 =	vld [tilespmem:s1+$0x20]  }
0xa6: {  	v16 =	vld [tilespmem:s1+$0xFFFFFFC0]  }
0xa7: {  	v15 =	vld.idx.msk [tilespmem:v15+s6+$0x0], $0xffff  }
0xa8: {  	v17 =	vld.idx.msk [tilespmem:v14+s6+$0x0], $0xffff  }
0xa9: {  	v14 =	vld.idx.msk [tilespmem:v12+s6+$0x0], $0xffff  }
.Ltmp2:
0xaa: {  	v12 =	vld.idx.msk [tilespmem:v9+s6+$0x0], $0xffff;
	(pc) =	sbr.rel @p4 .LBB2_7-.Ltmp2, $4  }
0xab: {  	v9 =	vld.idx.msk [tilespmem:v10+s6+$0x0], $0xffff  }
0xac: {  	s2 =	sadd.s32 $0x80, s2;
	v10 =	vld.idx.msk [tilespmem:v11+s6+$0x0], $0xffff  }
0xad: {  	v11 =	vld.idx.msk [tilespmem:v13+s6+$0x0], $0xffff;
	[tilespmem:s2+$0x0] =	vst v15  }
0xae: {  	s1 =	sadd.s32 $0x80, s1;
	v13 =	vld.idx.msk [tilespmem:v16+s6+$0x0], $0xffff;
	[tilespmem:s2+$0xFFFFFFA0] =	vst v17  }
0xaf: {  	[tilespmem:s2+$0xFFFFFFB0] =	vst v14  }
0xb0: {  	[tilespmem:s2+$0xFFFFFFC0] =	vst v12  }
0xb1: {  	[tilespmem:s2+$0xFFFFFFD0] =	vst v9  }
0xb2: {  	[tilespmem:s2+$0xFFFFFFE0] =	vst v10  }
0xb3: {  	[tilespmem:s2+$0xFFFFFFF0] =	vst v11  }
0xb4: {  	[tilespmem:s2+$0xFFFFFF90] =	vst v13  }
0xb5: {  	_ =	swait.ge [sflag:s24], $0x1000  }
0xb6: {  	[sflag:s24] =	ssyncset.done $0x0  }
0xb7: {  	s1 =	simm.s32 @!p3 $0xA;
	[sflag:s24] =	ssyncadd.s32 $0xFFFFF000  }
0xb8: {  	_ =	swait.ge @!p3 [sflag:s1], $0x1000  }
0xb9: {  	[sflag:s1] =	ssyncset.done @!p3 $0x0  }
0xba: {  	s31 =	simm.s32 $0x18740;
	[sflag:s1] =	ssyncadd.s32 @!p3 $0xFFFFF000  }
0xbb: {  	v9 =	vld [tilespmem:s31+$0x30]  }
0xbc: {  	v10 =	vld [tilespmem:s31+$0xFFFFFFD0]  }
0xbd: {  	v11 =	vld [tilespmem:s31+$0xFFFFFFE0]  }
0xbe: {  	v12 =	vld [tilespmem:s31+$0xFFFFFFF0]  }
0xbf: {  	v13 =	vld [tilespmem:s31+$0x0]  }
0xc0: {  	v15 =	vld [tilespmem:s31+$0x10]  }
0xc1: {  	v16 =	vld [tilespmem:s31+$0x20]  }
0xc2: {  	v17 =	vld [tilespmem:s31+$0xFFFFFFC0]  }
0xc3: {  	v18 =	vld.idx.msk [tilespmem:v9+s6+$0x0], $0xffff  }
0xc4: {  	v19 =	vld.idx.msk [tilespmem:v10+s6+$0x0], $0xffff  }
0xc5: {  	v14 =	vld.idx.msk [tilespmem:v11+s6+$0x0], $0xffff  }
0xc6: {  	v12 =	vld.idx.msk [tilespmem:v12+s6+$0x0], $0xffff  }
0xc7: {  	v9 =	vld.idx.msk [tilespmem:v13+s6+$0x0], $0xffff  }
0xc8: {  	s2 =	simm.s32 $0x1E770;
	v10 =	vld.idx.msk [tilespmem:v15+s6+$0x0], $0xffff  }
0xc9: {  	v11 =	vld.idx.msk [tilespmem:v16+s6+$0x0], $0xffff;
	[tilespmem:s2+$0x0] =	vst v18  }
0xca: {  	s23 =	simm.s32 $0x0;
	s1 =	simm.s32 $0x187C0;
	v13 =	vld.idx.msk [tilespmem:v17+s6+$0x0], $0xffff;
	[tilespmem:s2+$0xFFFFFFA0] =	vst v19  }
.LBB2_9:
0xcb: {  	v15 =	vld [tilespmem:s1+$0x30];
	s23 =	sadd.s32 $0x80, s23;
	[tilespmem:s2+$0xFFFFFFB0] =	vst v14  }
0xcc: {  	v14 =	vld [tilespmem:s1+$0xFFFFFFD0];
	p3 =	slt.u32 s23, $0xF80;
	[tilespmem:s2+$0xFFFFFFC0] =	vst v12  }
0xcd: {  	v12 =	vld [tilespmem:s1+$0xFFFFFFE0];
	[tilespmem:s2+$0xFFFFFFD0] =	vst v9  }
0xce: {  	v9 =	vld [tilespmem:s1+$0xFFFFFFF0];
	[tilespmem:s2+$0xFFFFFFE0] =	vst v10  }
0xcf: {  	v10 =	vld [tilespmem:s1+$0x0];
	[tilespmem:s2+$0xFFFFFFF0] =	vst v11  }
0xd0: {  	v11 =	vld [tilespmem:s1+$0x10];
	[tilespmem:s2+$0xFFFFFF90] =	vst v13  }
0xd1: {  	v13 =	vld [tilespmem:s1+$0x20]  }
0xd2: {  	v16 =	vld [tilespmem:s1+$0xFFFFFFC0]  }
0xd3: {  	v15 =	vld.idx.msk [tilespmem:v15+s6+$0x0], $0xffff  }
0xd4: {  	v17 =	vld.idx.msk [tilespmem:v14+s6+$0x0], $0xffff  }
0xd5: {  	v14 =	vld.idx.msk [tilespmem:v12+s6+$0x0], $0xffff  }
.Ltmp3:
0xd6: {  	v12 =	vld.idx.msk [tilespmem:v9+s6+$0x0], $0xffff;
	(pc) =	sbr.rel @p3 .LBB2_9-.Ltmp3, $4  }
0xd7: {  	v9 =	vld.idx.msk [tilespmem:v10+s6+$0x0], $0xffff  }
0xd8: {  	s2 =	sadd.s32 $0x80, s2;
	v10 =	vld.idx.msk [tilespmem:v11+s6+$0x0], $0xffff  }
0xd9: {  	v11 =	vld.idx.msk [tilespmem:v13+s6+$0x0], $0xffff;
	[tilespmem:s2+$0x0] =	vst v15  }
0xda: {  	s1 =	sadd.s32 $0x80, s1;
	v13 =	vld.idx.msk [tilespmem:v16+s6+$0x0], $0xffff;
	[tilespmem:s2+$0xFFFFFFA0] =	vst v17  }
0xdb: {  	[tilespmem:s2+$0xFFFFFFB0] =	vst v14  }
0xdc: {  	[tilespmem:s2+$0xFFFFFFC0] =	vst v12  }
0xdd: {  	[tilespmem:s2+$0xFFFFFFD0] =	vst v9  }
0xde: {  	[tilespmem:s2+$0xFFFFFFE0] =	vst v10  }
0xdf: {  	s1 =	smul.u32 @p2 $0x30E000, s15;
	[tilespmem:s2+$0xFFFFFFF0] =	vst v11  }
0xe0: {  	s23 =	simm.s32 @p2 $0x400;
	[tilespmem:s2+$0xFFFFFF90] =	vst v13  }
0xe1: {  	s30 =	simm.s32 @p2 $0x0;
	s1 =	sadd.s32 @p2 s7, s1;
	_ =	swait.ge [sflag:s28], $0xE180  }
0xe2: {  	s31 =	simm.s32 $0x3030;
	s1 =	sshrl.u32 @p2 s1, $0x3;
	[sflag:s28] =	ssyncset.done $0x0  }
0xe3: {  	s1 =	sadd.s32 @p2 s0, s1;
	s2 =	simm.s32 @p2 $0x80;
	[sflag:s28] =	ssyncadd.s32 $0xFFFF1E80  }
0xe4: {  	[tilespmem:s30], [sflag:$0x1] =	stream.strided.gather @p2 [hbm4b:s1+s2], $0xA580, s23, s2, $0x38;
	[tilespmem:$0x1FF00] =	vst v63  }
0xe5: {  	v12 =	vmov s31;
	s2 =	simm.s32 $0x18740  }
0xe6: {  	s31 =	simm.s32 $0x3060;
	v12 =	vshrl.u32 v12, $0x7;
	v13 =	vld [tilespmem:s2+$0x30]  }
0xe7: {  	v17 =	vmov s31;
	s31 =	simm.s32 $0x3070;
	v12 =	vshll.u32 v12, v1;
	v15 =	vld [tilespmem:s2+$0xFFFFFFD0]  }
0xe8: {  	v24 =	vshrl.u32 v17, $0x7;
	v23 =	vmov s31;
	v12 =	vbroadcast v12, $0x0;
	s1 =	simm.s32 $0x3010;
	s23 =	simm.s32 $0x3020;
	v18 =	vld [tilespmem:s2+$0xFFFFFFE0]  }
0xe9: {  	v24 =	vshll.u32 v24, v1;
	v10 =	vmov s1;
	v11 =	vmov s23;
	s1 =	simm.s32 $0x3040;
	s23 =	simm.s32 $0x3050;
	v19 =	vld [tilespmem:s2+$0xFFFFFFF0]  }
0xea: {  	v17 =	vld [tilespmem:s2+$0x10];
	v14 =	vmov s1;
	v16 =	vmov s23;
	v10 =	vshrl.u32 v10, $0x7  }
0xeb: {  	v11 =	vshrl.u32 v11, $0x7;
	v14 =	vshrl.u32 v14, $0x7;
	v22 =	vshrl.u32 v16, $0x7;
	v16 =	vld [tilespmem:s2+$0x0]  }
0xec: {  	v21 =	vld [tilespmem:s2+$0xFFFFFFC0];
	v10 =	vshll.u32 v10, v1;
	v11 =	vshll.u32 v11, v1;
	vm7 =	vgt.s32 v13, $0xA57F  }
0xed: {  	vm6 =	vgt.s32 v15, $0xA57F;
	v20 =	vadd.s32 $0xFFFF5A80, v15;
	v15 =	vld [tilespmem:s2+$0x20];
	v13 =	vadd.s32 $0xFFFF5A80, v13  }
0xee: {  	v10 =	vbroadcast v10, $0x0;
	vm4 =	vgt.s32 v18, $0xA57F;
	v18 =	vadd.s32 $0xFFFF5A80, v18  }
0xef: {  	vm5 =	vgt.s32 v19, $0xA57F;
	v25 =	vadd.s32 $0xFFFF5A80, v19;
	v19 =	vshrl.u32 v23, $0x7  }
0xf0: {  	vm3 =	vgt.s32 v16, $0xA57F;
	v26 =	vadd.s32 $0xFFFF5A80, v16;
	v16 =	vshll.u32 v19, v1  }
0xf1: {  	v11 =	vbroadcast v11, $0x0;
	vm0 =	vgt.s32 v17, $0xA57F;
	v23 =	vbroadcast v16, $0x0  }
0xf2: {  	vm1 =	vgt.s32 v21, $0xA57F;
	v19 =	vadd.s32 $0xFFFF5A80, v17;
	vm2 =	vgt.s32 v15, $0xA57F;
	v17 =	vld.idx.msk [tilespmem:v13+s19+$0x0], vm7  }
0xf3: {  	s30 =	simm.s32 $0x3000;
	v15 =	vadd.s32 $0xFFFF5A80, v15;
	v13 =	vadd.s32 $0xFFFF5A80, v21;
	v16 =	vld.idx.msk [tilespmem:v20+s19+$0x0], vm6;
	v21 =	vor.u32 v8, v23  }
0xf4: {  	v9 =	vmov s30;
	v20 =	vor.u32 v2, v10;
	v10 =	vld.idx.msk [tilespmem:v18+s19+$0x0], vm4;
	v18 =	vshll.u32 v14, v1  }
0xf5: {  	v22 =	vshll.u32 v22, v1;
	v14 =	vor.u32 v3, v11;
	v11 =	vld.idx.msk [tilespmem:v25+s19+$0x0], vm5;
	v23 =	vbroadcast v18, $0x0  }
0xf6: {  	v9 =	vshrl.u32 v9, $0x7;
	s23 =	simm.s32 $0x0;
	v22 =	vbroadcast v22, $0x0;
	v18 =	vor.u32 v4, v12;
	v12 =	vld.idx.msk [tilespmem:v26+s19+$0x0], vm3  }
.LBB2_11:
0xf7: {  	s1 =	sadd.s32 $0x3080, s23;
	v9 =	vshll.u32 v9, v1;
	v23 =	vor.u32 v5, v23;
	v19 =	vld.idx.msk [tilespmem:v19+s19+$0x0], vm0;
	v24 =	vbroadcast v24, $0x0;
	s30 =	smov.u32 s23  }
0xf8: {  	s31 =	sadd.s32 $0x30A0, s23;
	v25 =	vmov s1;
	s1 =	sadd.s32 $0x3090, s23;
	v9 =	vbroadcast v9, $0x0;
	v22 =	vor.u32 v6, v22;
	v15 =	vld.idx.msk [tilespmem:v15+s19+$0x0], vm2;
	[tilespmem:v21+s29+$0x0] =	vst.idx.msk vm7, v17  }
0xf9: {  	s2 =	sadd.s32 $0x80, s2;
	v21 =	vmov s31;
	s31 =	sadd.s32 $0x30C0, s23;
	v17 =	vmov s1;
	s1 =	sadd.s32 $0x30B0, s23;
	v13 =	vld.idx.msk [tilespmem:v13+s19+$0x0], vm1;
	[tilespmem:v20+s29+$0x0] =	vst.idx.msk vm6, v16;
	v16 =	vor.u32 v7, v24  }
0xfa: {  	v24 =	vmov s31;
	s31 =	sadd.s32 $0x30E0, s30;
	s23 =	sadd.s32 $0x80, s23;
	v20 =	vmov s1;
	s1 =	sadd.s32 $0x30D0, s30;
	v26 =	vld [tilespmem:s2+$0x30];
	v27 =	vor.u32 v0, v9;
	[tilespmem:v14+s29+$0x0] =	vst.idx.msk vm4, v10  }
0xfb: {  	v28 =	vmov s31;
	p2 =	slt.u32 s23, $0xF80;
	v10 =	vld [tilespmem:s2+$0xFFFFFFD0];
	v14 =	vmov s1;
	[tilespmem:v18+s29+$0x0] =	vst.idx.msk vm5, v11  }
0xfc: {  	v9 =	vshrl.u32 v25, $0x7;
	v11 =	vshrl.u32 v17, $0x7;
	v18 =	vshrl.u32 v21, $0x7;
	v17 =	vld [tilespmem:s2+$0xFFFFFFE0];
	[tilespmem:v23+s29+$0x0] =	vst.idx.msk vm3, v12  }
0xfd: {  	v20 =	vshrl.u32 v20, $0x7;
	v23 =	vshrl.u32 v24, $0x7;
	v24 =	vshrl.u32 v14, $0x7;
	v12 =	vld [tilespmem:s2+$0xFFFFFFF0];
	[tilespmem:v22+s29+$0x0] =	vst.idx.msk vm0, v19  }
0xfe: {  	v25 =	vshrl.u32 v28, $0x7;
	v11 =	vshll.u32 v11, v1;
	v14 =	vshll.u32 v18, v1;
	v18 =	vld [tilespmem:s2+$0x0];
	[tilespmem:v16+s29+$0x0] =	vst.idx.msk vm2, v15  }
0xff: {  	v11 =	vbroadcast v11, $0x0;
	v22 =	vshll.u32 v20, v1;
	v15 =	vld [tilespmem:s2+$0x10];
	vm7 =	vgt.s32 v26, $0xA57F;
	[tilespmem:v27+s29+$0x0] =	vst.idx.msk vm1, v13  }
0x100: {  	s1 =	sadd.s32 $0x30F0, s30;
	v16 =	vadd.s32 $0xFFFF5A80, v26;
	vm6 =	vgt.s32 v10, $0xA57F;
	v10 =	vadd.s32 $0xFFFF5A80, v10;
	v13 =	vld [tilespmem:s2+$0x20]  }
0x101: {  	v20 =	vld [tilespmem:s2+$0xFFFFFFC0];
	vm4 =	vgt.s32 v17, $0xA57F;
	v26 =	vadd.s32 $0xFFFF5A80, v17;
	v17 =	vmov s1  }
0x102: {  	vm5 =	vgt.s32 v12, $0xA57F;
	v12 =	vadd.s32 $0xFFFF5A80, v12;
	v17 =	vshrl.u32 v17, $0x7  }
0x103: {  	vm3 =	vgt.s32 v18, $0xA57F;
	v27 =	vadd.s32 $0xFFFF5A80, v18;
	v17 =	vshll.u32 v17, v1  }
0x104: {  	vm0 =	vgt.s32 v15, $0xA57F;
	v19 =	vadd.s32 $0xFFFF5A80, v15;
	v18 =	vbroadcast v17, $0x0  }
.Ltmp4:
0x105: {  	v14 =	vbroadcast v14, $0x0;
	vm2 =	vgt.s32 v13, $0xA57F;
	v15 =	vadd.s32 $0xFFFF5A80, v13;
	v17 =	vld.idx.msk [tilespmem:v16+s19+$0x0], vm7;
	(pc) =	sbr.rel @p2 .LBB2_11-.Ltmp4, $4  }
0x106: {  	vm1 =	vgt.s32 v20, $0xA57F;
	v13 =	vadd.s32 $0xFFFF5A80, v20;
	v16 =	vld.idx.msk [tilespmem:v10+s19+$0x0], vm6;
	v21 =	vor.u32 v8, v18  }
0x107: {  	v20 =	vor.u32 v2, v11;
	v18 =	vbroadcast v22, $0x0;
	v22 =	vshll.u32 v23, v1;
	v10 =	vld.idx.msk [tilespmem:v26+s19+$0x0], vm4  }
0x108: {  	v14 =	vor.u32 v3, v14;
	v23 =	vbroadcast v22, $0x0;
	v22 =	vshll.u32 v24, v1;
	v11 =	vld.idx.msk [tilespmem:v12+s19+$0x0], vm5  }
0x109: {  	v24 =	vshll.u32 v25, v1;
	v18 =	vor.u32 v4, v18;
	v22 =	vbroadcast v22, $0x0;
	v12 =	vld.idx.msk [tilespmem:v27+s19+$0x0], vm3  }
0x10a: {  	_ =	sdelay $0x3  }
0x10b: {  	v9 =	vshll.u32 v9, v1;
	v23 =	vor.u32 v5, v23;
	v24 =	vbroadcast v24, $0x0  }
0x10c: {  	v19 =	vld.idx.msk [tilespmem:v19+s19+$0x0], vm0;
	[tilespmem:v21+s29+$0x0] =	vst.idx.msk vm7, v17;
	v9 =	vbroadcast v9, $0x0;
	v22 =	vor.u32 v6, v22  }
0x10d: {  	v15 =	vld.idx.msk [tilespmem:v15+s19+$0x0], vm2;
	[tilespmem:v20+s29+$0x0] =	vst.idx.msk vm6, v16;
	v16 =	vor.u32 v7, v24  }
0x10e: {  	v13 =	vld.idx.msk [tilespmem:v13+s19+$0x0], vm1;
	[tilespmem:v14+s29+$0x0] =	vst.idx.msk vm4, v10;
	v9 =	vor.u32 v0, v9  }
0x10f: {  	s1 =	sshll.u32 s14, $0x13;
	[tilespmem:v18+s29+$0x0] =	vst.idx.msk vm5, v11  }
0x110: {  	s1 =	sor.u32 s1, s10;
	[tilespmem:v23+s29+$0x0] =	vst.idx.msk vm3, v12  }
0x111: {  	s1 =	sor.u32 s5, s1;
	[tilespmem:v22+s29+$0x0] =	vst.idx.msk vm0, v19  }
0x112: {  	s14 =	sshrl.u32 s1, $0x3;
	[tilespmem:v16+s29+$0x0] =	vst.idx.msk vm2, v15  }
0x113: {  	s2 =	simm.s32 $0x1E700;
	s1 =	sadd.s32 s14, s11;
	[tilespmem:v9+s29+$0x0] =	vst.idx.msk vm1, v13  }
0x114: {  	[hbm4b:s1+s16] =	stream.strided.scatter [tilespmem:s2], [sflag:$0xA], $0x1000, s17, s16, $0x38;
	[tilespmem:$0x1FF00] =	vst v63  }
0x115: {  	s31 =	simm.s32 $0x1010;
	s2 =	simm.s32 $0x19740  }
0x116: {  	s23 =	simm.s32 $0x1020;
	v10 =	vmov s31;
	s31 =	simm.s32 $0x1060;
	v13 =	vld [tilespmem:s2+$0x30]  }
0x117: {  	v11 =	vmov s23;
	v17 =	vmov s31;
	v10 =	vshrl.u32 v10, $0x7;
	v15 =	vld [tilespmem:s2+$0xFFFFFFD0]  }
0x118: {  	s30 =	simm.s32 $0x1000;
	s23 =	simm.s32 $0x1050;
	s31 =	simm.s32 $0x1070;
	v11 =	vshrl.u32 v11, $0x7;
	v10 =	vshll.u32 v10, v1;
	v24 =	vshrl.u32 v17, $0x7;
	v18 =	vld [tilespmem:s2+$0xFFFFFFE0]  }
0x119: {  	v17 =	vmov s31;
	v16 =	vmov s23;
	v9 =	vmov s30;
	s30 =	simm.s32 $0x1030;
	v19 =	vld [tilespmem:s2+$0xFFFFFFF0]  }
0x11a: {  	v11 =	vshll.u32 v11, v1;
	v22 =	vshrl.u32 v16, $0x7;
	v12 =	vmov s30;
	v16 =	vld [tilespmem:s2+$0x0]  }
0x11b: {  	v10 =	vbroadcast v10, $0x0;
	v17 =	vshrl.u32 v17, $0x7;
	v12 =	vshrl.u32 v12, $0x7;
	v21 =	vld [tilespmem:s2+$0xFFFFFFC0]  }
0x11c: {  	v24 =	vshll.u32 v24, v1;
	v23 =	vshll.u32 v12, v1;
	v12 =	vld [tilespmem:s2+$0x10];
	vm7 =	vgt.s32 v13, $0xA57F  }
0x11d: {  	s1 =	simm.s32 $0x1040;
	vm6 =	vgt.s32 v15, $0xA57F;
	v20 =	vadd.s32 $0xFFFF5A80, v15;
	v15 =	vld [tilespmem:s2+$0x20];
	v13 =	vadd.s32 $0xFFFF5A80, v13  }
0x11e: {  	v11 =	vbroadcast v11, $0x0;
	v14 =	vmov s1;
	vm1 =	vgt.s32 v18, $0xA57F  }
0x11f: {  	v18 =	vadd.s32 $0xFFFF5A80, v18;
	vm2 =	vgt.s32 v19, $0xA57F;
	v25 =	vadd.s32 $0xFFFF5A80, v19  }
0x120: {  	vm3 =	vgt.s32 v16, $0xA57F;
	v26 =	vadd.s32 $0xFFFF5A80, v16;
	v16 =	vshll.u32 v17, v1  }
0x121: {  	v14 =	vshrl.u32 v14, $0x7;
	vm0 =	vgt.s32 v12, $0xA57F;
	v27 =	vbroadcast v16, $0x0  }
0x122: {  	vm5 =	vgt.s32 v21, $0xA57F;
	v19 =	vadd.s32 $0xFFFF5A80, v12;
	vm4 =	vgt.s32 v15, $0xA57F;
	v17 =	vld.idx.msk [tilespmem:v13+s19+$0x0], vm7  }
0x123: {  	v12 =	vadd.s32 $0xFFFF5A80, v21;
	v21 =	vor.u32 v8, v27;
	v15 =	vadd.s32 $0xFFFF5A80, v15;
	v16 =	vld.idx.msk [tilespmem:v20+s19+$0x0], vm6  }
0x124: {  	v20 =	vor.u32 v2, v10;
	v10 =	vld.idx.msk [tilespmem:v18+s19+$0x0], vm1;
	v13 =	vbroadcast v23, $0x0;
	v18 =	vshll.u32 v14, v1  }
0x125: {  	v22 =	vshll.u32 v22, v1;
	v14 =	vor.u32 v3, v11;
	v11 =	vld.idx.msk [tilespmem:v25+s19+$0x0], vm2;
	v23 =	vbroadcast v18, $0x0  }
0x126: {  	s23 =	simm.s32 $0x0;
	v9 =	vshrl.u32 v9, $0x7;
	v22 =	vbroadcast v22, $0x0;
	v18 =	vor.u32 v4, v13;
	v13 =	vld.idx.msk [tilespmem:v26+s19+$0x0], vm3  }
.LBB2_13:
0x127: {  	s1 =	sadd.s32 $0x1080, s23;
	v9 =	vshll.u32 v9, v1;
	v23 =	vor.u32 v5, v23;
	v19 =	vld.idx.msk [tilespmem:v19+s19+$0x0], vm0;
	v24 =	vbroadcast v24, $0x0;
	s30 =	smov.u32 s23  }
0x128: {  	s31 =	sadd.s32 $0x10A0, s23;
	v25 =	vmov s1;
	s1 =	sadd.s32 $0x1090, s23;
	v9 =	vbroadcast v9, $0x0;
	v22 =	vor.u32 v6, v22;
	v15 =	vld.idx.msk [tilespmem:v15+s19+$0x0], vm4;
	[tilespmem:v21+s29+$0x0] =	vst.idx.msk vm7, v17  }
0x129: {  	s2 =	sadd.s32 $0x80, s2;
	v21 =	vmov s31;
	s31 =	sadd.s32 $0x10C0, s23;
	v17 =	vmov s1;
	s1 =	sadd.s32 $0x10B0, s23;
	v12 =	vld.idx.msk [tilespmem:v12+s19+$0x0], vm5;
	[tilespmem:v20+s29+$0x0] =	vst.idx.msk vm6, v16;
	v16 =	vor.u32 v7, v24  }
0x12a: {  	v24 =	vmov s31;
	s31 =	sadd.s32 $0x10E0, s30;
	s23 =	sadd.s32 $0x80, s23;
	v20 =	vmov s1;
	s1 =	sadd.s32 $0x10D0, s30;
	v26 =	vld [tilespmem:s2+$0x30];
	v27 =	vor.u32 v0, v9;
	[tilespmem:v14+s29+$0x0] =	vst.idx.msk vm1, v10  }
0x12b: {  	v28 =	vmov s31;
	p2 =	slt.u32 s23, $0xF80;
	v10 =	vld [tilespmem:s2+$0xFFFFFFD0];
	v14 =	vmov s1;
	[tilespmem:v18+s29+$0x0] =	vst.idx.msk vm2, v11  }
0x12c: {  	v9 =	vshrl.u32 v25, $0x7;
	v11 =	vshrl.u32 v17, $0x7;
	v18 =	vshrl.u32 v21, $0x7;
	v17 =	vld [tilespmem:s2+$0xFFFFFFE0];
	[tilespmem:v23+s29+$0x0] =	vst.idx.msk vm3, v13  }
0x12d: {  	v20 =	vshrl.u32 v20, $0x7;
	v23 =	vshrl.u32 v24, $0x7;
	v24 =	vshrl.u32 v14, $0x7;
	v13 =	vld [tilespmem:s2+$0xFFFFFFF0];
	[tilespmem:v22+s29+$0x0] =	vst.idx.msk vm0, v19  }
0x12e: {  	v25 =	vshrl.u32 v28, $0x7;
	v11 =	vshll.u32 v11, v1;
	v14 =	vshll.u32 v18, v1;
	v18 =	vld [tilespmem:s2+$0x0];
	[tilespmem:v16+s29+$0x0] =	vst.idx.msk vm4, v15  }
0x12f: {  	v11 =	vbroadcast v11, $0x0;
	v22 =	vshll.u32 v20, v1;
	v15 =	vld [tilespmem:s2+$0x10];
	vm7 =	vgt.s32 v26, $0xA57F;
	[tilespmem:v27+s29+$0x0] =	vst.idx.msk vm5, v12  }
0x130: {  	s1 =	sadd.s32 $0x10F0, s30;
	v16 =	vadd.s32 $0xFFFF5A80, v26;
	vm6 =	vgt.s32 v10, $0xA57F;
	v10 =	vadd.s32 $0xFFFF5A80, v10;
	v12 =	vld [tilespmem:s2+$0x20]  }
0x131: {  	v20 =	vld [tilespmem:s2+$0xFFFFFFC0];
	vm1 =	vgt.s32 v17, $0xA57F;
	v26 =	vadd.s32 $0xFFFF5A80, v17;
	v17 =	vmov s1  }
0x132: {  	vm2 =	vgt.s32 v13, $0xA57F;
	v13 =	vadd.s32 $0xFFFF5A80, v13;
	v17 =	vshrl.u32 v17, $0x7  }
0x133: {  	vm3 =	vgt.s32 v18, $0xA57F;
	v27 =	vadd.s32 $0xFFFF5A80, v18;
	v17 =	vshll.u32 v17, v1  }
0x134: {  	vm0 =	vgt.s32 v15, $0xA57F;
	v19 =	vadd.s32 $0xFFFF5A80, v15;
	v18 =	vbroadcast v17, $0x0  }
.Ltmp5:
0x135: {  	v14 =	vbroadcast v14, $0x0;
	vm4 =	vgt.s32 v12, $0xA57F;
	v15 =	vadd.s32 $0xFFFF5A80, v12;
	v17 =	vld.idx.msk [tilespmem:v16+s19+$0x0], vm7;
	(pc) =	sbr.rel @p2 .LBB2_13-.Ltmp5, $4  }
0x136: {  	vm5 =	vgt.s32 v20, $0xA57F;
	v12 =	vadd.s32 $0xFFFF5A80, v20;
	v16 =	vld.idx.msk [tilespmem:v10+s19+$0x0], vm6;
	v21 =	vor.u32 v8, v18  }
0x137: {  	v20 =	vor.u32 v2, v11;
	v18 =	vbroadcast v22, $0x0;
	v22 =	vshll.u32 v23, v1;
	v10 =	vld.idx.msk [tilespmem:v26+s19+$0x0], vm1  }
0x138: {  	v14 =	vor.u32 v3, v14;
	v23 =	vbroadcast v22, $0x0;
	v22 =	vshll.u32 v24, v1;
	v11 =	vld.idx.msk [tilespmem:v13+s19+$0x0], vm2  }
0x139: {  	v24 =	vshll.u32 v25, v1;
	v18 =	vor.u32 v4, v18;
	v22 =	vbroadcast v22, $0x0;
	v13 =	vld.idx.msk [tilespmem:v27+s19+$0x0], vm3  }
0x13a: {  	_ =	sdelay $0x3  }
0x13b: {  	v9 =	vshll.u32 v9, v1;
	v23 =	vor.u32 v5, v23;
	v24 =	vbroadcast v24, $0x0  }
0x13c: {  	v19 =	vld.idx.msk [tilespmem:v19+s19+$0x0], vm0;
	[tilespmem:v21+s29+$0x0] =	vst.idx.msk vm7, v17;
	v9 =	vbroadcast v9, $0x0;
	v22 =	vor.u32 v6, v22  }
0x13d: {  	v15 =	vld.idx.msk [tilespmem:v15+s19+$0x0], vm4;
	[tilespmem:v20+s29+$0x0] =	vst.idx.msk vm6, v16;
	v16 =	vor.u32 v7, v24  }
0x13e: {  	v12 =	vld.idx.msk [tilespmem:v12+s19+$0x0], vm5;
	[tilespmem:v14+s29+$0x0] =	vst.idx.msk vm1, v10;
	v9 =	vor.u32 v0, v9  }
0x13f: {  	[tilespmem:v18+s29+$0x0] =	vst.idx.msk vm2, v11  }
0x140: {  	[tilespmem:v23+s29+$0x0] =	vst.idx.msk vm3, v13  }
0x141: {  	[tilespmem:v22+s29+$0x0] =	vst.idx.msk vm0, v19  }
0x142: {  	[tilespmem:v16+s29+$0x0] =	vst.idx.msk vm4, v15  }
0x143: {  	s1 =	sadd.s32 s14, s12;
	s2 =	simm.s32 $0x1C700;
	[tilespmem:v9+s29+$0x0] =	vst.idx.msk vm5, v12  }
0x144: {  	[hbm4b:s1+s16] =	stream.strided.scatter [tilespmem:s2], [sflag:$0x8], $0x1000, s17, s16, $0x38;
	[tilespmem:$0x1FF00] =	vst v63  }
0x145: {  	s30 =	simm.s32 $0x2010;
	s2 =	simm.s32 $0x1A740  }
0x146: {  	[tilespmem:s22], [sflag:$0x5] =	stream.strided.gather [spmem:s8], $0x1000, s20, s16, $0x38;
	[tilespmem:$0x1FF00] =	vst v63  }
0x147: {  	s23 =	simm.s32 $0x2000;
	s31 =	simm.s32 $0x2020;
	v10 =	vmov s30;
	s30 =	simm.s32 $0x2060;
	v13 =	vld [tilespmem:s2+$0x30]  }
0x148: {  	v11 =	vmov s31;
	v17 =	vmov s30;
	v9 =	vmov s23;
	s23 =	simm.s32 $0x2030;
	v15 =	vld [tilespmem:s2+$0xFFFFFFD0]  }
0x149: {  	v10 =	vshrl.u32 v10, $0x7;
	v11 =	vshrl.u32 v11, $0x7;
	v12 =	vmov s23;
	s23 =	simm.s32 $0x2050;
	v18 =	vld [tilespmem:s2+$0xFFFFFFE0]  }
0x14a: {  	s31 =	simm.s32 $0x2070;
	v10 =	vshll.u32 v10, v1;
	v24 =	vshrl.u32 v17, $0x7;
	v16 =	vmov s23;
	v19 =	vld [tilespmem:s2+$0xFFFFFFF0]  }
0x14b: {  	v17 =	vmov s31;
	v12 =	vshrl.u32 v12, $0x7;
	v22 =	vshrl.u32 v16, $0x7;
	v16 =	vld [tilespmem:s2+$0x0]  }
0x14c: {  	v11 =	vshll.u32 v11, v1;
	v10 =	vbroadcast v10, $0x0;
	v23 =	vshll.u32 v12, v1;
	v12 =	vld [tilespmem:s2+$0x10]  }
0x14d: {  	v17 =	vshrl.u32 v17, $0x7;
	v24 =	vshll.u32 v24, v1;
	v21 =	vld [tilespmem:s2+$0xFFFFFFC0];
	vm7 =	vgt.s32 v13, $0xA57F  }
0x14e: {  	s8 =	simm.s32 $0x2040;
	vm6 =	vgt.s32 v15, $0xA57F;
	v20 =	vadd.s32 $0xFFFF5A80, v15;
	v15 =	vld [tilespmem:s2+$0x20];
	v13 =	vadd.s32 $0xFFFF5A80, v13  }
0x14f: {  	v11 =	vbroadcast v11, $0x0;
	v14 =	vmov s8;
	vm1 =	vgt.s32 v18, $0xA57F  }
0x150: {  	v18 =	vadd.s32 $0xFFFF5A80, v18;
	vm2 =	vgt.s32 v19, $0xA57F;
	v25 =	vadd.s32 $0xFFFF5A80, v19  }
0x151: {  	vm3 =	vgt.s32 v16, $0xA57F;
	v26 =	vadd.s32 $0xFFFF5A80, v16;
	v16 =	vshll.u32 v17, v1  }
0x152: {  	v14 =	vshrl.u32 v14, $0x7;
	vm0 =	vgt.s32 v12, $0xA57F;
	v27 =	vbroadcast v16, $0x0  }
0x153: {  	v19 =	vadd.s32 $0xFFFF5A80, v12;
	vm5 =	vgt.s32 v21, $0xA57F;
	vm4 =	vgt.s32 v15, $0xA57F;
	v17 =	vld.idx.msk [tilespmem:v13+s19+$0x0], vm7  }
0x154: {  	v12 =	vadd.s32 $0xFFFF5A80, v21;
	v21 =	vor.u32 v8, v27;
	v15 =	vadd.s32 $0xFFFF5A80, v15;
	v16 =	vld.idx.msk [tilespmem:v20+s19+$0x0], vm6  }
0x155: {  	v20 =	vor.u32 v2, v10;
	v10 =	vld.idx.msk [tilespmem:v18+s19+$0x0], vm1;
	v13 =	vbroadcast v23, $0x0;
	v18 =	vshll.u32 v14, v1  }
0x156: {  	v22 =	vshll.u32 v22, v1;
	v14 =	vor.u32 v3, v11;
	v11 =	vld.idx.msk [tilespmem:v25+s19+$0x0], vm2;
	v23 =	vbroadcast v18, $0x0  }
0x157: {  	v9 =	vshrl.u32 v9, $0x7;
	s8 =	simm.s32 $0x0;
	v22 =	vbroadcast v22, $0x0;
	v18 =	vor.u32 v4, v13;
	v13 =	vld.idx.msk [tilespmem:v26+s19+$0x0], vm3  }
.LBB2_15:
0x158: {  	s1 =	sadd.s32 $0x2080, s8;
	v9 =	vshll.u32 v9, v1;
	v23 =	vor.u32 v5, v23;
	v19 =	vld.idx.msk [tilespmem:v19+s19+$0x0], vm0;
	v24 =	vbroadcast v24, $0x0;
	s23 =	smov.u32 s8  }
0x159: {  	s30 =	sadd.s32 $0x20A0, s8;
	v25 =	vmov s1;
	s1 =	sadd.s32 $0x2090, s8;
	v9 =	vbroadcast v9, $0x0;
	v22 =	vor.u32 v6, v22;
	v15 =	vld.idx.msk [tilespmem:v15+s19+$0x0], vm4;
	[tilespmem:v21+s29+$0x0] =	vst.idx.msk vm7, v17  }
0x15a: {  	s2 =	sadd.s32 $0x80, s2;
	v21 =	vmov s30;
	s30 =	sadd.s32 $0x20C0, s8;
	v17 =	vmov s1;
	s1 =	sadd.s32 $0x20B0, s8;
	v12 =	vld.idx.msk [tilespmem:v12+s19+$0x0], vm5;
	[tilespmem:v20+s29+$0x0] =	vst.idx.msk vm6, v16;
	v16 =	vor.u32 v7, v24  }
0x15b: {  	v24 =	vmov s30;
	s30 =	sadd.s32 $0x20E0, s23;
	s8 =	sadd.s32 $0x80, s8;
	v20 =	vmov s1;
	s1 =	sadd.s32 $0x20D0, s23;
	v26 =	vld [tilespmem:s2+$0x30];
	v27 =	vor.u32 v0, v9;
	[tilespmem:v14+s29+$0x0] =	vst.idx.msk vm1, v10  }
0x15c: {  	v28 =	vmov s30;
	p2 =	slt.u32 s8, $0xF80;
	v10 =	vld [tilespmem:s2+$0xFFFFFFD0];
	v14 =	vmov s1;
	[tilespmem:v18+s29+$0x0] =	vst.idx.msk vm2, v11  }
0x15d: {  	v9 =	vshrl.u32 v25, $0x7;
	v11 =	vshrl.u32 v17, $0x7;
	v18 =	vshrl.u32 v21, $0x7;
	v17 =	vld [tilespmem:s2+$0xFFFFFFE0];
	[tilespmem:v23+s29+$0x0] =	vst.idx.msk vm3, v13  }
0x15e: {  	v20 =	vshrl.u32 v20, $0x7;
	v23 =	vshrl.u32 v24, $0x7;
	v24 =	vshrl.u32 v14, $0x7;
	v13 =	vld [tilespmem:s2+$0xFFFFFFF0];
	[tilespmem:v22+s29+$0x0] =	vst.idx.msk vm0, v19  }
0x15f: {  	v25 =	vshrl.u32 v28, $0x7;
	v11 =	vshll.u32 v11, v1;
	v14 =	vshll.u32 v18, v1;
	v18 =	vld [tilespmem:s2+$0x0];
	[tilespmem:v16+s29+$0x0] =	vst.idx.msk vm4, v15  }
0x160: {  	v11 =	vbroadcast v11, $0x0;
	v22 =	vshll.u32 v20, v1;
	v15 =	vld [tilespmem:s2+$0x10];
	vm7 =	vgt.s32 v26, $0xA57F;
	[tilespmem:v27+s29+$0x0] =	vst.idx.msk vm5, v12  }
0x161: {  	s1 =	sadd.s32 $0x20F0, s23;
	v16 =	vadd.s32 $0xFFFF5A80, v26;
	vm6 =	vgt.s32 v10, $0xA57F;
	v10 =	vadd.s32 $0xFFFF5A80, v10;
	v12 =	vld [tilespmem:s2+$0x20]  }
0x162: {  	v20 =	vld [tilespmem:s2+$0xFFFFFFC0];
	vm1 =	vgt.s32 v17, $0xA57F;
	v26 =	vadd.s32 $0xFFFF5A80, v17;
	v17 =	vmov s1  }
0x163: {  	vm2 =	vgt.s32 v13, $0xA57F;
	v13 =	vadd.s32 $0xFFFF5A80, v13;
	v17 =	vshrl.u32 v17, $0x7  }
0x164: {  	vm3 =	vgt.s32 v18, $0xA57F;
	v27 =	vadd.s32 $0xFFFF5A80, v18;
	v17 =	vshll.u32 v17, v1  }
0x165: {  	vm0 =	vgt.s32 v15, $0xA57F;
	v19 =	vadd.s32 $0xFFFF5A80, v15;
	v18 =	vbroadcast v17, $0x0  }
.Ltmp6:
0x166: {  	v14 =	vbroadcast v14, $0x0;
	vm4 =	vgt.s32 v12, $0xA57F;
	v15 =	vadd.s32 $0xFFFF5A80, v12;
	v17 =	vld.idx.msk [tilespmem:v16+s19+$0x0], vm7;
	(pc) =	sbr.rel @p2 .LBB2_15-.Ltmp6, $4  }
0x167: {  	vm5 =	vgt.s32 v20, $0xA57F;
	v12 =	vadd.s32 $0xFFFF5A80, v20;
	v16 =	vld.idx.msk [tilespmem:v10+s19+$0x0], vm6;
	v21 =	vor.u32 v8, v18  }
0x168: {  	v20 =	vor.u32 v2, v11;
	v18 =	vbroadcast v22, $0x0;
	v22 =	vshll.u32 v23, v1;
	v10 =	vld.idx.msk [tilespmem:v26+s19+$0x0], vm1  }
0x169: {  	v14 =	vor.u32 v3, v14;
	v23 =	vbroadcast v22, $0x0;
	v22 =	vshll.u32 v24, v1;
	v11 =	vld.idx.msk [tilespmem:v13+s19+$0x0], vm2  }
0x16a: {  	v24 =	vshll.u32 v25, v1;
	v18 =	vor.u32 v4, v18;
	v22 =	vbroadcast v22, $0x0;
	v13 =	vld.idx.msk [tilespmem:v27+s19+$0x0], vm3  }
0x16b: {  	_ =	sdelay $0x3  }
0x16c: {  	v9 =	vshll.u32 v9, v1;
	v23 =	vor.u32 v5, v23;
	v24 =	vbroadcast v24, $0x0  }
0x16d: {  	v19 =	vld.idx.msk [tilespmem:v19+s19+$0x0], vm0;
	[tilespmem:v21+s29+$0x0] =	vst.idx.msk vm7, v17;
	v9 =	vbroadcast v9, $0x0;
	v22 =	vor.u32 v6, v22  }
0x16e: {  	v15 =	vld.idx.msk [tilespmem:v15+s19+$0x0], vm4;
	[tilespmem:v20+s29+$0x0] =	vst.idx.msk vm6, v16;
	v16 =	vor.u32 v7, v24  }
0x16f: {  	v12 =	vld.idx.msk [tilespmem:v12+s19+$0x0], vm5;
	[tilespmem:v14+s29+$0x0] =	vst.idx.msk vm1, v10;
	v9 =	vor.u32 v0, v9  }
0x170: {  	[tilespmem:v18+s29+$0x0] =	vst.idx.msk vm2, v11  }
0x171: {  	[tilespmem:v23+s29+$0x0] =	vst.idx.msk vm3, v13  }
0x172: {  	[tilespmem:v22+s29+$0x0] =	vst.idx.msk vm0, v19  }
0x173: {  	[tilespmem:v16+s29+$0x0] =	vst.idx.msk vm4, v15  }
0x174: {  	s1 =	sadd.s32 s14, s13;
	[tilespmem:v9+s29+$0x0] =	vst.idx.msk vm5, v12  }
0x175: {  	[hbm4b:s1+s16] =	stream.strided.scatter [tilespmem:s4], [sflag:$0x9], $0x1000, s17, s16, $0x38;
	[tilespmem:$0x1FF00] =	vst v63  }
0x176: {  	_ =	swait.ge [sflag:s25], $0x1000  }
0x177: {  	[sflag:s25] =	ssyncset.done $0x0  }
0x178: {  	s23 =	simm.s32 $0x19740;
	[sflag:s25] =	ssyncadd.s32 $0xFFFFF000  }
0x179: {  	v9 =	vld [tilespmem:s23+$0x30]  }
0x17a: {  	v10 =	vld [tilespmem:s23+$0xFFFFFFC0]  }
0x17b: {  	v13 =	vld [tilespmem:s23+$0xFFFFFFF0]  }
0x17c: {  	v11 =	vld [tilespmem:s23+$0xFFFFFFD0]  }
0x17d: {  	v12 =	vld [tilespmem:s23+$0xFFFFFFE0]  }
0x17e: {  	v14 =	vld [tilespmem:s23+$0x0];
	vm4 =	vgt.s32 v9, $0xA57F  }
0x17f: {  	v15 =	vld [tilespmem:s23+$0x10];
	v9 =	vadd.s32 $0xFFFF5A80, v9  }
0x180: {  	s31 =	simm.s32 $0x197C0;
	v16 =	vld [tilespmem:s23+$0x20];
	vm5 =	vgt.s32 v13, $0xA57F  }
0x181: {  	v20 =	vld [tilespmem:s31+$0xFFFFFFC0];
	v13 =	vadd.s32 $0xFFFF5A80, v13  }
0x182: {  	v28 =	vld [tilespmem:s31+$0xFFFFFFF0]  }
0x183: {  	s30 =	simm.s32 $0x0;
	v30 =	vld [tilespmem:s31+$0x0];
	vm6 =	vgt.s32 v10, $0xA57F;
	v10 =	vadd.s32 $0xFFFF5A80, v10  }
0x184: {  	vm8 =	vgt.s32 v11, $0xA57F;
	v11 =	vadd.s32 $0xFFFF5A80, v11;
	v17 =	vld.idx.msk [tilespmem:v9+s19+$0x0], vm4;
	v9 =	vmov s30  }
0x185: {  	vm11 =	vgt.s32 v16, $0xA57F;
	v21 =	vadd.s32 $0xFFFF5A80, v16;
	v16 =	vld [tilespmem:s31+$0xFFFFFFD0];
	v9 =	vshrl.u32 v9, $0x7  }
0x186: {  	vm7 =	vgt.s32 v12, $0xA57F;
	v12 =	vadd.s32 $0xFFFF5A80, v12;
	v19 =	vld.idx.msk [tilespmem:v13+s19+$0x0], vm5;
	v9 =	vshll.u32 v9, $0x7  }
0x187: {  	vm0 =	vgt.s32 v14, $0xA57F;
	v14 =	vadd.s32 $0xFFFF5A80, v14;
	v13 =	vld [tilespmem:s31+$0x30];
	v9 =	vbroadcast v9, $0x0  }
0x188: {  	v24 =	vld [tilespmem:s31+$0xFFFFFFE0];
	vm1 =	vgt.s32 v15, $0xA57F;
	v15 =	vadd.s32 $0xFFFF5A80, v15;
	vm9 =	vmmov vm0  }
0x189: {  	v31 =	vld [tilespmem:s31+$0x10];
	vm2 =	vgt.s32 v20, $0xA57F;
	v20 =	vadd.s32 $0xFFFF5A80, v20;
	v22 =	vor.u32 v8, v9  }
0x18a: {  	v35 =	vadd.s32 $0xFFFF5A80, v28;
	vm0 =	vmmov vm1;
	v18 =	vld.idx.msk [tilespmem:v10+s19+$0x0], vm6;
	v23 =	vor.u32 v0, v9  }
0x18b: {  	vm12 =	vgt.s32 v30, $0xA57F;
	vm3 =	vgt.s32 v16, $0xA57F;
	v11 =	vld.idx.msk [tilespmem:v11+s19+$0x0], vm8;
	v25 =	vor.u32 v2, v9  }
0x18c: {  	s2 =	simm.s32 $0x80;
	v12 =	vld.idx.msk [tilespmem:v12+s19+$0x0], vm7;
	v26 =	vor.u32 v3, v9;
	v27 =	vor.u32 v4, v9;
	vm1 =	vgt.s32 v13, $0xA57F  }
0x18d: {  	v33 =	vld [tilespmem:s31+$0x20];
	v29 =	vor.u32 v5, v9;
	v32 =	vadd.s32 $0xFFFF5A80, v13;
	v13 =	vmov s2  }
0x18e: {  	v34 =	vld.idx.msk [tilespmem:v14+s19+$0x0], vm9;
	v13 =	vshrl.u32 v13, $0x7;
	[tilespmem:v22+s29+$0x0] =	vst.idx.msk vm4, v17;
	v22 =	vadd.s32 $0xFFFF5A80, v16;
	vm4 =	vgt.s32 v24, $0xA57F  }
0x18f: {  	v14 =	vld.idx.msk [tilespmem:v21+s19+$0x0], vm11;
	v13 =	vshll.u32 v13, $0x7;
	[tilespmem:v23+s29+$0x0] =	vst.idx.msk vm6, v18;
	v23 =	vadd.s32 $0xFFFF5A80, v24;
	vm6 =	vgt.s32 v28, $0xA57F  }
0x190: {  	vm10 =	vgt.s32 v31, $0xA57F;
	v10 =	vor.u32 v6, v9;
	v36 =	vbroadcast v13, $0x0;
	v16 =	vld.idx.msk [tilespmem:v15+s19+$0x0], vm0;
	[tilespmem:v25+s29+$0x0] =	vst.idx.msk vm8, v11  }
0x191: {  	v9 =	vor.u32 v7, v9;
	v13 =	vadd.s32 $0xFFFF5A80, v30;
	[tilespmem:v26+s29+$0x0] =	vst.idx.msk vm7, v12;
	v12 =	vadd.s32 $0xFFFF5A80, v31;
	v18 =	vld.idx.msk [tilespmem:v20+s19+$0x0], vm2  }
0x192: {  	[tilespmem:v27+s29+$0x0] =	vst.idx.msk vm5, v19;
	vm8 =	vmmov vm11;
	vm5 =	vgt.s32 v33, $0xA57F;
	v26 =	vor.u32 v8, v36;
	v17 =	vld.idx.msk [tilespmem:v32+s19+$0x0], vm1  }
0x193: {  	v25 =	vor.u32 v0, v36;
	v24 =	vor.u32 v2, v36;
	v21 =	vor.u32 v3, v36;
	v22 =	vld.idx.msk [tilespmem:v22+s19+$0x0], vm3  }
0x194: {  	v20 =	vor.u32 v4, v36;
	v11 =	vor.u32 v5, v36;
	v28 =	vor.u32 v6, v36;
	v23 =	vld.idx.msk [tilespmem:v23+s19+$0x0], vm4  }
0x195: {  	s8 =	simm.s32 $0x19840;
	v15 =	vadd.s32 $0xFFFF5A80, v33;
	v19 =	vor.u32 v7, v36;
	[tilespmem:v29+s29+$0x0] =	vst.idx.msk vm9, v34;
	vm7 =	vmmov vm12;
	v27 =	vld.idx.msk [tilespmem:v35+s19+$0x0], vm6  }
.LBB2_17:
0x196: {  	v29 =	vld [tilespmem:s8+$0x30];
	[tilespmem:v10+s29+$0x0] =	vst.idx.msk vm0, v16;
	v10 =	vmov v28;
	vm0 =	vmmov vm10  }
0x197: {  	v16 =	vld [tilespmem:s8+$0xFFFFFFC0];
	[tilespmem:v26+s29+$0x0] =	vst.idx.msk vm1, v17  }
0x198: {  	v17 =	vld [tilespmem:s8+$0xFFFFFFD0];
	[tilespmem:v25+s29+$0x0] =	vst.idx.msk vm2, v18  }
0x199: {  	v18 =	vld [tilespmem:s8+$0xFFFFFFE0];
	[tilespmem:v24+s29+$0x0] =	vst.idx.msk vm3, v22  }
0x19a: {  	v22 =	vld [tilespmem:s8+$0xFFFFFFF0];
	[tilespmem:v21+s29+$0x0] =	vst.idx.msk vm4, v23  }
0x19b: {  	v21 =	vld [tilespmem:s8+$0x0];
	vm1 =	vgt.s32 v29, $0xA57F;
	[tilespmem:v20+s29+$0x0] =	vst.idx.msk vm6, v27  }
0x19c: {  	s2 =	sadd.s32 $0x80, s2;
	v24 =	vadd.s32 $0xFFFF5A80, v29;
	vm2 =	vgt.s32 v16, $0xA57F;
	v20 =	vadd.s32 $0xFFFF5A80, v16;
	v23 =	vld [tilespmem:s8+$0x10];
	[tilespmem:v9+s29+$0x0] =	vst.idx.msk vm8, v14;
	v9 =	vmovc v19  }
0x19d: {  	p2 =	slt.u32 s2, $0xF80;
	v14 =	vmov s2;
	vm3 =	vgt.s32 v17, $0xA57F;
	v19 =	vadd.s32 $0xFFFF5A80, v17;
	v25 =	vld [tilespmem:s8+$0x20]  }
0x19e: {  	v14 =	vshrl.u32 v14, $0x7;
	vm4 =	vgt.s32 v18, $0xA57F;
	v27 =	vadd.s32 $0xFFFF5A80, v18;
	v29 =	vld.idx.msk [tilespmem:v13+s19+$0x0], vm7  }
0x19f: {  	v13 =	vshll.u32 v14, $0x7;
	vm6 =	vgt.s32 v22, $0xA57F;
	v30 =	vadd.s32 $0xFFFF5A80, v22;
	v16 =	vld.idx.msk [tilespmem:v12+s19+$0x0], vm10  }
0x1a0: {  	v31 =	vbroadcast v13, $0x0;
	vm9 =	vgt.s32 v21, $0xA57F;
	v13 =	vadd.s32 $0xFFFF5A80, v21;
	v14 =	vld.idx.msk [tilespmem:v15+s19+$0x0], vm5  }
.Ltmp7:
0x1a1: {  	vm8 =	vmmov vm5;
	vm10 =	vgt.s32 v23, $0xA57F;
	v12 =	vadd.s32 $0xFFFF5A80, v23;
	v17 =	vld.idx.msk [tilespmem:v24+s19+$0x0], vm1;
	(pc) =	sbr.rel @p2 .LBB2_17-.Ltmp7, $4  }
0x1a2: {  	v26 =	vor.u32 v8, v31;
	v18 =	vld.idx.msk [tilespmem:v20+s19+$0x0], vm2;
	vm5 =	vgt.s32 v25, $0xA57F;
	v15 =	vadd.s32 $0xFFFF5A80, v25  }
0x1a3: {  	v24 =	vor.u32 v2, v31;
	v21 =	vor.u32 v3, v31;
	v25 =	vor.u32 v0, v31;
	v22 =	vld.idx.msk [tilespmem:v19+s19+$0x0], vm3  }
0x1a4: {  	v32 =	vor.u32 v5, v31;
	v28 =	vor.u32 v6, v31;
	v20 =	vor.u32 v4, v31;
	v23 =	vld.idx.msk [tilespmem:v27+s19+$0x0], vm4  }
0x1a5: {  	s8 =	sadd.s32 $0x80, s8;
	v19 =	vor.u32 v7, v31;
	v27 =	vld.idx.msk [tilespmem:v30+s19+$0x0], vm6;
	[tilespmem:v11+s29+$0x0] =	vst.idx.msk vm7, v29;
	v11 =	vmov v32;
	vm7 =	vmmov vm9  }
0x1a6: {  	_ =	sdelay $0x4  }
0x1a7: {  	[tilespmem:v10+s29+$0x0] =	vst.idx.msk vm0, v16  }
0x1a8: {  	[tilespmem:v26+s29+$0x0] =	vst.idx.msk vm1, v17  }
0x1a9: {  	v10 =	vld.idx.msk [tilespmem:v13+s19+$0x0], vm7;
	[tilespmem:v9+s29+$0x0] =	vst.idx.msk vm8, v14  }
0x1aa: {  	v12 =	vld.idx.msk [tilespmem:v12+s19+$0x0], vm10;
	[tilespmem:v25+s29+$0x0] =	vst.idx.msk vm2, v18  }
0x1ab: {  	v63 =	vld.idx.msk [tilespmem:v15+s19+$0x0], vm5;
	[tilespmem:v24+s29+$0x0] =	vst.idx.msk vm3, v22  }
0x1ac: {  	p2 =	slt.u32 s15, $0x1A;
	[tilespmem:v21+s29+$0x0] =	vst.idx.msk vm4, v23  }
.Ltmp8:
0x1ad: {  	[tilespmem:v20+s29+$0x0] =	vst.idx.msk vm6, v27;
	(pc) =	sbr.rel @p2 .LBB2_2-.Ltmp8, $4  }
0x1ae: {  	[tilespmem:v11+s29+$0x0] =	vst.idx.msk vm7, v10  }
0x1af: {  	s1 =	rddreg [dreg:$0x2];
	[tilespmem:v28+s29+$0x0] =	vst.idx.msk vm10, v12  }
0x1b0: {  	s1 =	sadd.s32 s1, s14;
	s14 =	smov.u32 s15;
	[tilespmem:v19+s29+$0x0] =	vst.idx.msk vm5, v63  }
0x1b1: {  	vm9 =	vmmov vm10;
	vm15 =	vmmov vm5;
	[hbm4b:s1+s16] =	stream.strided.scatter [tilespmem:s29], [sflag:$0x7], $0x1000, s17, s16, $0x38;
	[tilespmem:$0x1FF00] =	vst v63  }
0x1b2: {  	s1 =	simm.s32 $0x7  }
0x1b3: {  	_ =	swait.ge [sflag:s1], $0x1000  }
0x1b4: {  	[sflag:s1] =	ssyncset.done $0x0  }
0x1b5: {  	s23 =	simm.s32 $0x8;
	[sflag:s1] =	ssyncadd.s32 $0xFFFFF000  }
0x1b6: {  	_ =	swait.ge [sflag:s23], $0x1000  }
0x1b7: {  	[sflag:s23] =	ssyncset.done $0x0  }
0x1b8: {  	s30 =	simm.s32 $0x9;
	[sflag:s23] =	ssyncadd.s32 $0xFFFFF000  }
0x1b9: {  	_ =	swait.ge [sflag:s30], $0x1000  }
0x1ba: {  	[sflag:s30] =	ssyncset.done $0x0  }
0x1bb: {  	s2 =	simm.s32 $0xA;
	[sflag:s30] =	ssyncadd.s32 $0xFFFFF000  }
0x1bc: {  	_ =	swait.ge [sflag:s2], $0x1000  }
0x1bd: {  	s8 =	rddreg [dreg:$0x8]  }
0x1be: {  	s31 =	rddreg [dreg:$0x6];
	s8 =	sadd.s32 $0x1, s8  }
0x1bf: {  	p2 =	sne.s32 s8, s31  }
.Ltmp9:
0x1c0: {  	_ = 	snop;
	(pc) =	sbr.rel @p2 .LBB2_1-.Ltmp9, $3  }
0x1c1: {  	_ =	sdelay $0x1  }
0x1c2: {  	[sflag:s2] =	ssyncset.done $0x0  }
0x1c3: {  	[sflag:s2] =	ssyncadd.s32 $0xFFFFF000  }
0x1c4: {  	_ =	sfence.sel $0x180000  }
0x1c5: {  	[bflag:$0x0] =	sbarrier.arrive $0xFFFF  }
0x1c6: {  	_ =	strace $0x90000047  }
0x1c7: {  	[bflag:$0x2] =	sbarrier.arrive $0xFFFF  }
0x1c8: {  	s0 =	rddreg [dreg:$0x4]  }
0x1c9: {  	s0 =	sadd.s32 @!p0 $0x100000, s0  }
0x1ca: {  	[sflag:s0] =	ssyncadd.tile.s32 @!p0 $0x1;
	_ =	shalt  }
.Lfunc_end2:
_tile_overlayer_lowered:
.L_overlay_start_2:
0x1cb: {  	(tag) =	ssettag $0x2  }
0x1cc: {  	s0 =	rddreg [dreg:$0x0];
	s2 =	stileid.u32  }
0x1cd: {  	s1 =	rddreg [dreg:$0x1];
	p0 =	sne.s32 s2, $0x0  }
0x1ce: {  	s3 =	rddreg [dreg:$0x2];
	[bflag:$0x3] =	sbarrier.arrive $0xFFFF;
	s2 =	simm.s32 @!p0 $0x1C0B  }
0x1cf: {  	[timem:s3], [sflag:s2] =	dma.local @!p0 [hbm:s0], s1  }
0x1d0: {  	s0 =	simm.s32 @!p0 $0xB  }
0x1d1: {  	_ =	swait.ge @!p0 [sflag:s0], s1  }
0x1d2: {  	s1 =	ssub.s32 @!p0 $0x0, s1;
	[sflag:s0] =	ssyncset.done @!p0 $0x0  }
0x1d3: {  	[sflag:s0] =	ssyncadd.s32 @!p0 s1  }
0x1d4: {  	[bflag:$0x3] =	sbarrier.arrive $0xFFFF  }
0x1d5: {  	_ =	shalt  }

</sc_bundles>
